<compile_context>
chip_gen: v7x
topology: tpu7x:2x2x1
jax: 0.10.2.dev20260603
libtpu: 0.0.44.dev20260713+nightly
codegen_flags: <defaults>
</compile_context>

<pallas_src>
import functools

import jax
import jax.numpy as jnp
from jax import lax
from jax.experimental import pallas as pl
from jax.experimental.pallas import tpu as pltpu
from jax.experimental.pallas import tpu_sc as plsc

E = 320000
T = 640000
H = 128
I = 64

F32 = jnp.float32


def _silu(v):
    return v / (1.0 + jnp.exp(-v))



_BE = 1280


def _tc_a_body(x_ref, pbas_ref, Wpb, Wji, bji, Wkj, bkj, Wdn, xji_out, g_out):
    x = x_ref[...]
    pb = _silu(jnp.dot(pbas_ref[...], Wpb[...], preferred_element_type=F32))
    xji = _silu(jnp.dot(x, Wji[...], preferred_element_type=F32) + bji[...])
    xkj = _silu(jnp.dot(x, Wkj[...], preferred_element_type=F32) + bkj[...])
    xkj = xkj * pb
    g_out[...] = _silu(jnp.dot(xkj, Wdn[...], preferred_element_type=F32))
    xji_out[...] = xji


def _tc_a(x, pair_basis, W_pb, W_ji, b_ji, W_kj, b_kj, W_down):
    n = E // _BE
    row = lambda w: pl.BlockSpec((_BE, w), lambda i: (i, 0))
    full = lambda a, b: pl.BlockSpec((a, b), lambda i: (0, 0))
    return pl.pallas_call(
        _tc_a_body,
        grid=(n,),
        in_specs=[
            row(H), row(16),
            full(16, H), full(H, H), full(1, H), full(H, H), full(1, H),
            full(H, I),
        ],
        out_specs=[row(H), row(I)],
        out_shape=[
            jax.ShapeDtypeStruct((E, H), F32),
            jax.ShapeDtypeStruct((E, I), F32),
        ],
        compiler_params=pltpu.CompilerParams(
            dimension_semantics=("arbitrary",)),
    )(x, pair_basis, W_pb, W_ji, b_ji.reshape(1, H), W_kj, b_kj.reshape(1, H),
      W_down)



_BT = 2560


def _tc_b_body(tbas_ref, Wtb, tb_out):
    tb_out[...] = _silu(
        jnp.dot(tbas_ref[...], Wtb[...], preferred_element_type=F32))


def _tc_b(triplet_basis, W_tb):
    n = T // _BT
    return pl.pallas_call(
        _tc_b_body,
        grid=(n,),
        in_specs=[
            pl.BlockSpec((_BT, 64), lambda i: (i, 0)),
            pl.BlockSpec((64, I), lambda i: (0, 0)),
        ],
        out_specs=pl.BlockSpec((_BT, I), lambda i: (i, 0)),
        out_shape=jax.ShapeDtypeStruct((T, I), F32),
        compiler_params=pltpu.CompilerParams(
            dimension_semantics=("arbitrary",)),
    )(triplet_basis, W_tb)




def _tc_c_body(seg_ref, xji_ref, x_ref, Wup,
               b1W1, b1b1, b1W2, b1b2,
               a1W1, a1b1, a1W2, a1b2,
               a2W1, a2b1, a2W2, a2b2,
               h_out):
    h = xji_ref[...] + _silu(
        jnp.dot(seg_ref[...], Wup[...], preferred_element_type=F32))

    def res(h, W1, b1, W2, b2):
        u = _silu(jnp.dot(h, W1[...], preferred_element_type=F32) + b1[...])
        return h + _silu(jnp.dot(u, W2[...], preferred_element_type=F32)
                         + b2[...])

    h = res(h, b1W1, b1b1, b1W2, b1b2)
    h = h + x_ref[...]
    h = res(h, a1W1, a1b1, a1W2, a1b2)
    h = res(h, a2W1, a2b1, a2W2, a2b2)
    h_out[...] = h


def _tc_c(seg, x_ji, x, W_up, res_b_W1, res_b_b1, res_b_W2, res_b_b2,
          res_a_W1, res_a_b1, res_a_W2, res_a_b2):
    n = E // _BE
    row = lambda w: pl.BlockSpec((_BE, w), lambda i: (i, 0))
    full = lambda a, b: pl.BlockSpec((a, b), lambda i: (0, 0))
    wspecs = []
    wargs = []
    for l, (W1, bb1, W2, bb2) in enumerate(
            [(res_b_W1[0], res_b_b1[0], res_b_W2[0], res_b_b2[0]),
             (res_a_W1[0], res_a_b1[0], res_a_W2[0], res_a_b2[0]),
             (res_a_W1[1], res_a_b1[1], res_a_W2[1], res_a_b2[1])]):
        wargs += [W1, bb1.reshape(1, H), W2, bb2.reshape(1, H)]
        wspecs += [full(H, H), full(1, H), full(H, H), full(1, H)]
    return pl.pallas_call(
        _tc_c_body,
        grid=(n,),
        in_specs=[row(I), row(H), row(H), full(I, H)] + wspecs,
        out_specs=row(H),
        out_shape=jax.ShapeDtypeStruct((E, H), F32),
        compiler_params=pltpu.CompilerParams(
            dimension_semantics=("arbitrary",)),
    )(seg, x_ji, x, W_up, *wargs)



_NC = 2
_NS = 16
_NP = 10
_DC = 16000
_PAD = 384
_ACCR = _DC + _PAD
_TW = T // _NS
_S = 8000
_NSEG = _TW // _S
_NV = _S // 16
_BLK = 128


def _sc_body(g_hbm, tb_hbm, kj_hbm, ji_hbm, out_hbm,
             ji_v, kj_v, tc_c, kc_c, jc_c,
             t_blk, kj_blk, ji_blk, tb_rows, g_rows, zrows,
             acc, sem0, sem1):
    c = lax.axis_index("c")
    s = lax.axis_index("s")
    lanes = lax.iota(jnp.int32, 16)
    zero16f = jnp.zeros((16,), F32)

    def zinit(r, _):
        for j in range(4):
            zrows[r, pl.ds(j * 16, 16)] = zero16f
        return 0
    lax.fori_loop(0, _BLK, zinit, 0)

    def one_pass(p, _):
        chunk_lo = (c * _NP + p) * _DC

        rows_per_tile = _ACCR // _NS
        def zblk(z, _):
            pltpu.sync_copy(
                zrows, acc.at[pl.ds(s * rows_per_tile + z * _BLK, _BLK)])
            return 0
        lax.fori_loop(0, rows_per_tile // _BLK, zblk, 0)
        plsc.subcore_barrier()

        def segment(seg, _):
            base_t = s * _TW + seg * _S
            pltpu.sync_copy(ji_hbm.at[pl.ds(base_t, _S)], ji_v)
            pltpu.sync_copy(kj_hbm.at[pl.ds(base_t, _S)], kj_v)

            def scank(k, off):
                ji16 = ji_v[pl.ds(k * 16, 16)]
                kj16 = kj_v[pl.ds(k * 16, 16)]
                jil = ji16 - chunk_lo
                m = (jil >= 0) & (jil < _DC)
                t16 = base_t + k * 16 + lanes
                ones = jnp.where(m, 1, 0).astype(jnp.int32)
                pos = off + plsc.cumsum(ones) - 1
                plsc.store_scatter(tc_c, [pos], t16, mask=m)
                plsc.store_scatter(kc_c, [pos], kj16, mask=m)
                plsc.store_scatter(jc_c, [pos], jil, mask=m)
                return off + jnp.sum(ones)

            off = lax.fori_loop(0, _NV, scank, jnp.int32(0))

            for j in range(_BLK // 16):
                dvec = lanes * 16 + j
                tc_c[pl.ds(off + j * 16, 16)] = dvec
                kc_c[pl.ds(off + j * 16, 16)] = dvec
                jc_c[pl.ds(off + j * 16, 16)] = _DC + j * 16 + lanes

            nblk = (off + (_BLK - 1)) // _BLK

            def flush(b, _):
                for j in range(_BLK // 16):
                    sl_src = pl.ds(b * _BLK + j * 16, 16)
                    sl_dst = pl.ds(j * 16, 16)
                    t_blk[sl_dst] = tc_c[sl_src]
                    kj_blk[sl_dst] = kc_c[sl_src]
                    ji_blk[sl_dst] = jc_c[sl_src]
                d0 = pltpu.async_copy(tb_hbm.at[t_blk], tb_rows, sem0)
                d1 = pltpu.async_copy(g_hbm.at[kj_blk], g_rows, sem1)
                d0.wait()
                d1.wait()

                def mulr(r, _):
                    for j in range(4):
                        sl = pl.ds(j * 16, 16)
                        g_rows[r, sl] = g_rows[r, sl] * tb_rows[r, sl]
                    return 0
                lax.fori_loop(0, _BLK, mulr, 0)
                pltpu.sync_copy(g_rows, acc.at[ji_blk], add=True)
                return 0

            lax.fori_loop(0, nblk, flush, 0)
            return 0

        lax.fori_loop(0, _NSEG, segment, 0)
        plsc.subcore_barrier()

        wrows = _DC // _NS
        pltpu.sync_copy(acc.at[pl.ds(s * wrows, wrows)],
                        out_hbm.at[pl.ds(chunk_lo + s * wrows, wrows)])
        plsc.subcore_barrier()
        return 0

    lax.fori_loop(0, _NP, one_pass, 0)


def _sc_segment_sum(g, tb, idx_kj, idx_ji):
    mesh = plsc.VectorSubcoreMesh(
        core_axis_name="c", subcore_axis_name="s",
        num_cores=_NC, num_subcores=_NS)
    kern = pl.kernel(
        _sc_body,
        out_type=jax.ShapeDtypeStruct((E, I), F32),
        mesh=mesh,
        compiler_params=pltpu.CompilerParams(
            needs_layout_passes=False, use_tc_tiling_on_sc=False),
        scratch_types=[
            pltpu.VMEM((_S,), jnp.int32),
            pltpu.VMEM((_S,), jnp.int32),
            pltpu.VMEM((_S + _BLK,), jnp.int32),
            pltpu.VMEM((_S + _BLK,), jnp.int32),
            pltpu.VMEM((_S + _BLK,), jnp.int32),
            pltpu.VMEM((_BLK,), jnp.int32),
            pltpu.VMEM((_BLK,), jnp.int32),
            pltpu.VMEM((_BLK,), jnp.int32),
            pltpu.VMEM((_BLK, I), F32),
            pltpu.VMEM((_BLK, I), F32),
            pltpu.VMEM((_BLK, I), F32),
            pltpu.MemorySpace.VMEM_SHARED((_ACCR, I), F32),
            pltpu.SemaphoreType.DMA,
            pltpu.SemaphoreType.DMA,
        ],
    )
    return kern(g, tb, idx_kj, idx_ji)




def kernel(x, pair_basis, triplet_basis, idx_kj, idx_ji, W_pb, W_tb, W_kj,
           b_kj, W_ji, b_ji, W_down, W_up, res_b_W1, res_b_b1, res_b_W2,
           res_b_b2, res_a_W1, res_a_b1, res_a_W2, res_a_b2):
    x_ji, g = _tc_a(x, pair_basis, W_pb, W_ji, b_ji, W_kj, b_kj, W_down)
    tb = _tc_b(triplet_basis, W_tb)
    seg = _sc_segment_sum(g, tb, idx_kj, idx_ji)
    return _tc_c(seg, x_ji, x, W_up, res_b_W1, res_b_b1, res_b_W2, res_b_b2,
                 res_a_W1, res_a_b1, res_a_W2, res_a_b2)

# --- scband reference (transcript-rebuilt; emitter-appended) ---
"""Pipeline reference for scband-gnn-18562848654100 (READ-ONLY COPY).

The authoritative reference and input builder live on the scoring server;
editing this copy changes nothing except your own understanding.
"""

import jax, jax.numpy as jnp
import numpy as np

E = 320000
T = 640000
H = 128
I = 64
PB = 16
TB = 64
NB = 1
NA = 2

def silu(v):
    return v * jax.nn.sigmoid(v)

def setup_inputs(seed: int = 0) -> dict:
    key = jax.random.key(seed)
    ks = jax.random.split(key, 16)
    def lin(k, fan_in, shape):
        return (jax.random.normal(k, shape, dtype=jnp.float32) / np.sqrt(fan_in)).astype(jnp.float32)
    inp = {}
    inp['x'] = jax.random.normal(ks[0], (E, H), dtype=jnp.float32)
    inp['pair_basis'] = jax.random.normal(ks[1], (E, PB), dtype=jnp.float32)
    inp['triplet_basis'] = jax.random.normal(ks[2], (T, TB), dtype=jnp.float32)
    inp['idx_kj'] = jax.random.randint(ks[3], (T,), 0, E, dtype=jnp.int32)
    inp['idx_ji'] = jax.random.randint(ks[4], (T,), 0, E, dtype=jnp.int32)
    inp['W_pb'] = lin(ks[5], PB, (PB, H))
    inp['W_tb'] = lin(ks[6], TB, (TB, I))
    inp['W_kj'] = lin(ks[7], H, (H, H))
    inp['b_kj'] = jnp.zeros((H,), dtype=jnp.float32)
    inp['W_ji'] = lin(ks[8], H, (H, H))
    inp['b_ji'] = jnp.zeros((H,), dtype=jnp.float32)
    inp['W_down'] = lin(ks[9], H, (H, I))
    inp['W_up'] = lin(ks[10], I, (I, H))
    inp['res_b_W1'] = lin(ks[11], H, (NB, H, H))
    inp['res_b_b1'] = jnp.zeros((NB, H), dtype=jnp.float32)
    inp['res_b_W2'] = lin(ks[12], H, (NB, H, H))
    inp['res_b_b2'] = jnp.zeros((NB, H), dtype=jnp.float32)
    inp['res_a_W1'] = lin(ks[13], H, (NA, H, H))
    inp['res_a_b1'] = jnp.zeros((NA, H), dtype=jnp.float32)
    inp['res_a_W2'] = lin(ks[14], H, (NA, H, H))
    inp['res_a_b2'] = jnp.zeros((NA, H), dtype=jnp.float32)
    return inp

def reference(x, pair_basis, triplet_basis, idx_kj, idx_ji, W_pb, W_tb, W_kj, b_kj, W_ji, b_ji, W_down, W_up, res_b_W1, res_b_b1, res_b_W2, res_b_b2, res_a_W1, res_a_b1, res_a_W2, res_a_b2):
    pb = silu(pair_basis @ W_pb)
    tb = silu(triplet_basis @ W_tb)
    x_ji = silu(x @ W_ji + b_ji)
    x_kj = silu(x @ W_kj + b_kj)
    x_kj = x_kj * pb
    x_kj = silu(x_kj @ W_down)
    x_kj = jnp.take(x_kj, idx_kj, axis=0) * tb
    x_kj = jax.ops.segment_sum(x_kj, idx_ji, num_segments=x.shape[0])
    x_kj = silu(x_kj @ W_up)
    h = x_ji + x_kj
    for l in range(res_b_W1.shape[0]):
        h = h + silu(silu(h @ res_b_W1[l] + res_b_b1[l]) @ res_b_W2[l] + res_b_b2[l])
    h = h + x
    for l in range(res_a_W1.shape[0]):
        h = h + silu(silu(h @ res_a_W1[l] + res_a_b1[l]) @ res_a_W2[l] + res_a_b2[l])
    return h

if __name__ == "__main__":
    import jax
    _d = setup_inputs()
    print(jax.jit(kernel)(*tuple(_d.values())))

</pallas_src>

<mosaic_0001>
#map = affine_map<(d0, d1) -> (0, 0)>
#map1 = affine_map<(d0, d1) -> (0)>
module attributes {stable_mosaic.version = 14 : i64} {
  func.func @_sc_body(%arg0: i32, %arg1: i32, %arg2: memref<320000x64xf32, #tpu.memory_space<hbm>>, %arg3: memref<640000x64xf32, #tpu.memory_space<hbm>>, %arg4: memref<640000xi32, #tpu.memory_space<hbm>>, %arg5: memref<640000xi32, #tpu.memory_space<hbm>>, %arg6: memref<320000x64xf32, #tpu.memory_space<hbm>>, %arg7: memref<8000xi32, #tpu.memory_space<vmem>>, %arg8: memref<8000xi32, #tpu.memory_space<vmem>>, %arg9: memref<8128xi32, #tpu.memory_space<vmem>>, %arg10: memref<8128xi32, #tpu.memory_space<vmem>>, %arg11: memref<8128xi32, #tpu.memory_space<vmem>>, %arg12: memref<128xi32, #tpu.memory_space<vmem>>, %arg13: memref<128xi32, #tpu.memory_space<vmem>>, %arg14: memref<128xi32, #tpu.memory_space<vmem>>, %arg15: memref<128x64xf32, #tpu.memory_space<vmem>>, %arg16: memref<128x64xf32, #tpu.memory_space<vmem>>, %arg17: memref<128x64xf32, #tpu.memory_space<vmem>>, %arg18: memref<16384x64xf32, #tpu.memory_space<vmem_shared>>, %arg19: memref<!tpu.dma_semaphore, #tpu.memory_space<semaphore_mem>>, %arg20: memref<!tpu.dma_semaphore, #tpu.memory_space<semaphore_mem>>) attributes {dimension_semantics = [#tpu.dimension_semantics<core_parallel>, #tpu.dimension_semantics<subcore_parallel>], iteration_bounds = array<i64: 2, 16>, scalar_prefetch = 0 : i64, scratch_operands = 14 : i64, tpu.core_type = #tpu.core_type<sc_vector_subcore>, window_params = [{transform_indices = #map}, {transform_indices = #map}, {transform_indices = #map1}, {transform_indices = #map1}, {transform_indices = #map}]} {
    %iota3A = tpu.iota {dimensions = array<i32: 0>} : vector<16xi32>
    %broadcast_in_dim3A = arith.constant 0.000000e+00 : f32
    %broadcast_in_dim3A_0 = vector.broadcast %broadcast_in_dim3A : f32 to vector<16xf32>
    %scan3A = arith.constant 0 : i32
    %scan3A_1 = arith.constant 0 : i32
    %scan3A_2 = arith.constant 128 : i32
    %scan3A_3 = arith.addi %scan3A_1, %scan3A_2 : i32
    %scan3A_4 = arith.constant 1 : i32
    %scan3A_5 = scf.for %scan3A_14 = %scan3A_1 to %scan3A_3 step %scan3A_4 iter_args(%scan3A_15 = %scan3A) -> (i32)  : i32 {
      %swap3A = arith.index_cast %scan3A_14 : i32 to index
      %swap3A_16 = arith.constant 0 : index
      %swap3A_17 = tpu.vector_load %arg17[%swap3A, %swap3A_16] {strides = array<i32>} : memref<128x64xf32, #tpu.memory_space<vmem>>, vector<16xf32>,
      tpu.vector_store %arg17[%swap3A, %swap3A_16], %broadcast_in_dim3A_0 {strides = array<i32>} : memref<128x64xf32, #tpu.memory_space<vmem>>, vector<16xf32>,
      %swap3A_18 = arith.index_cast %scan3A_14 : i32 to index
      %swap3A_19 = arith.constant 16 : index
      %swap3A_20 = tpu.vector_load %arg17[%swap3A_18, %swap3A_19] {strides = array<i32>} : memref<128x64xf32, #tpu.memory_space<vmem>>, vector<16xf32>,
      tpu.vector_store %arg17[%swap3A_18, %swap3A_19], %broadcast_in_dim3A_0 {strides = array<i32>} : memref<128x64xf32, #tpu.memory_space<vmem>>, vector<16xf32>,
      %swap3A_21 = arith.index_cast %scan3A_14 : i32 to index
      %swap3A_22 = arith.constant 32 : index
      %swap3A_23 = tpu.vector_load %arg17[%swap3A_21, %swap3A_22] {strides = array<i32>} : memref<128x64xf32, #tpu.memory_space<vmem>>, vector<16xf32>,
      tpu.vector_store %arg17[%swap3A_21, %swap3A_22], %broadcast_in_dim3A_0 {strides = array<i32>} : memref<128x64xf32, #tpu.memory_space<vmem>>, vector<16xf32>,
      %swap3A_24 = arith.index_cast %scan3A_14 : i32 to index
      %swap3A_25 = arith.constant 48 : index
      %swap3A_26 = tpu.vector_load %arg17[%swap3A_24, %swap3A_25] {strides = array<i32>} : memref<128x64xf32, #tpu.memory_space<vmem>>, vector<16xf32>,
      tpu.vector_store %arg17[%swap3A_24, %swap3A_25], %broadcast_in_dim3A_0 {strides = array<i32>} : memref<128x64xf32, #tpu.memory_space<vmem>>, vector<16xf32>,
      %scan3A_27 = arith.constant 0 : i32
      scf.yield %scan3A_27 : i32
    }
    %scan3A_6 = arith.constant 128 : i32
    %scan3A_7 = arith.constant 0 : i32
    %scan3A_8 = arith.constant 0 : i32
    %scan3A_9 = arith.constant 10 : i32
    %scan3A_10 = arith.addi %scan3A_8, %scan3A_9 : i32
    %scan3A_11 = arith.constant 1 : i32
    %scan3A_12 = scf.for %scan3A_14 = %scan3A_8 to %scan3A_10 step %scan3A_11 iter_args(%scan3A_15 = %scan3A_7) -> (i32)  : i32 {
      %mul3A = arith.constant 10 : i32
      %mul3A_16 = arith.muli %arg0, %mul3A : i32
      %add3A = arith.addi %mul3A_16, %scan3A_14 : i32
      %mul3A_17 = arith.constant 16000 : i32
      %mul3A_18 = arith.muli %add3A, %mul3A_17 : i32
      %scan3A_19 = arith.constant 0 : i32
      %scan3A_20 = arith.constant 0 : i32
      %scan3A_21 = arith.constant 8 : i32
      %scan3A_22 = arith.addi %scan3A_20, %scan3A_21 : i32
      %scan3A_23 = arith.constant 1 : i32
      %scan3A_24 = scf.for %scan3A_41 = %scan3A_20 to %scan3A_22 step %scan3A_23 iter_args(%scan3A_42 = %scan3A_19) -> (i32)  : i32 {
        %mul3A_43 = arith.constant 1024 : i32
        %mul3A_44 = arith.muli %arg1, %mul3A_43 : i32
        %mul3A_45 = arith.constant 128 : i32
        %mul3A_46 = arith.muli %scan3A_41, %mul3A_45 : i32
        %add3A_47 = arith.addi %mul3A_44, %mul3A_46 : i32
        "tpu.region"() ({
          %run_scoped3A = tpu.sem_alloc : memref<!tpu.dma_semaphore, #tpu.memory_space<semaphore_mem>>
          %dma_start3A = arith.constant 0 : i32
          %dma_start3A_49 = tpu.memref_slice %arg18[%add3A_47, %dma_start3A] : memref<16384x64xf32, #tpu.memory_space<vmem_shared>> -> memref<128x64xf32, #tpu.memory_space<vmem_shared>>
          %dma_start3A_50 = arith.constant 0 : i32
          %dma_start3A_51 = tpu.memref_slice %arg18[%add3A_47, %dma_start3A_50] : memref<16384x64xf32, #tpu.memory_space<vmem_shared>> -> memref<128x64xf32, #tpu.memory_space<vmem_shared>>
          tpu.enqueue_dma source(%arg17 : memref<128x64xf32, #tpu.memory_space<vmem>>) target(%dma_start3A_51 : memref<128x64xf32, #tpu.memory_space<vmem_shared>>) target_semaphore(%run_scoped3A : memref<!tpu.dma_semaphore, #tpu.memory_space<semaphore_mem>>)
          %dma_wait3A = arith.constant 0 : i32
          %dma_wait3A_52 = tpu.memref_slice %arg18[%add3A_47, %dma_wait3A] : memref<16384x64xf32, #tpu.memory_space<vmem_shared>> -> memref<128x64xf32, #tpu.memory_space<vmem_shared>>
          %dma_wait3A_53 = arith.constant 0 : i32
          %dma_wait3A_54 = tpu.memref_slice %arg18[%add3A_47, %dma_wait3A_53] : memref<16384x64xf32, #tpu.memory_space<vmem_shared>> -> memref<128x64xf32, #tpu.memory_space<vmem_shared>>
          tpu.wait_dma2 semaphore(%run_scoped3A : memref<!tpu.dma_semaphore, #tpu.memory_space<semaphore_mem>>) src(%arg17 : memref<128x64xf32, #tpu.memory_space<vmem>>) dst(%dma_wait3A_54 : memref<128x64xf32, #tpu.memory_space<vmem_shared>>)
          tpu.yield
        }) : () -> ()
        %scan3A_48 = arith.constant 0 : i32
        scf.yield %scan3A_48 : i32
      }
      %scan3A_25 = arith.constant 8 : i32
      %barrier3A = arith.constant 0 : index
      tpu.barrier barrier_id(%barrier3A)
      %scan3A_26 = arith.constant 0 : i32
      %scan3A_27 = arith.constant 0 : i32
      %scan3A_28 = arith.constant 5 : i32
      %scan3A_29 = arith.addi %scan3A_27, %scan3A_28 : i32
      %scan3A_30 = arith.constant 1 : i32
      %scan3A_31 = scf.for %scan3A_41 = %scan3A_27 to %scan3A_29 step %scan3A_30 iter_args(%scan3A_42 = %scan3A_26) -> (i32)  : i32 {
        %mul3A_43 = arith.constant 40000 : i32
        %mul3A_44 = arith.muli %arg1, %mul3A_43 : i32
        %mul3A_45 = arith.constant 8000 : i32
        %mul3A_46 = arith.muli %scan3A_41, %mul3A_45 : i32
        %add3A_47 = arith.addi %mul3A_44, %mul3A_46 : i32
        "tpu.region"() ({
          %run_scoped3A = tpu.sem_alloc : memref<!tpu.dma_semaphore, #tpu.memory_space<semaphore_mem>>
          %dma_start3A = tpu.memref_slice %arg5[%add3A_47] : memref<640000xi32, #tpu.memory_space<hbm>> -> memref<8000xi32, #tpu.memory_space<hbm>>
          %dma_start3A_252 = tpu.memref_slice %arg5[%add3A_47] : memref<640000xi32, #tpu.memory_space<hbm>> -> memref<8000xi32, #tpu.memory_space<hbm>>
          tpu.enqueue_dma source(%dma_start3A_252 : memref<8000xi32, #tpu.memory_space<hbm>>) target(%arg7 : memref<8000xi32, #tpu.memory_space<vmem>>) target_semaphore(%run_scoped3A : memref<!tpu.dma_semaphore, #tpu.memory_space<semaphore_mem>>)
          %dma_wait3A = tpu.memref_slice %arg5[%add3A_47] : memref<640000xi32, #tpu.memory_space<hbm>> -> memref<8000xi32, #tpu.memory_space<hbm>>
          %dma_wait3A_253 = tpu.memref_slice %arg5[%add3A_47] : memref<640000xi32, #tpu.memory_space<hbm>> -> memref<8000xi32, #tpu.memory_space<hbm>>
          tpu.wait_dma2 semaphore(%run_scoped3A : memref<!tpu.dma_semaphore, #tpu.memory_space<semaphore_mem>>) src(%dma_wait3A_253 : memref<8000xi32, #tpu.memory_space<hbm>>) dst(%arg7 : memref<8000xi32, #tpu.memory_space<vmem>>)
          tpu.yield
        }) : () -> ()
        "tpu.region"() ({
          %run_scoped3A = tpu.sem_alloc : memref<!tpu.dma_semaphore, #tpu.memory_space<semaphore_mem>>
          %dma_start3A = tpu.memref_slice %arg4[%add3A_47] : memref<640000xi32, #tpu.memory_space<hbm>> -> memref<8000xi32, #tpu.memory_space<hbm>>
          %dma_start3A_252 = tpu.memref_slice %arg4[%add3A_47] : memref<640000xi32, #tpu.memory_space<hbm>> -> memref<8000xi32, #tpu.memory_space<hbm>>
          tpu.enqueue_dma source(%dma_start3A_252 : memref<8000xi32, #tpu.memory_space<hbm>>) target(%arg8 : memref<8000xi32, #tpu.memory_space<vmem>>) target_semaphore(%run_scoped3A : memref<!tpu.dma_semaphore, #tpu.memory_space<semaphore_mem>>)
          %dma_wait3A = tpu.memref_slice %arg4[%add3A_47] : memref<640000xi32, #tpu.memory_space<hbm>> -> memref<8000xi32, #tpu.memory_space<hbm>>
          %dma_wait3A_253 = tpu.memref_slice %arg4[%add3A_47] : memref<640000xi32, #tpu.memory_space<hbm>> -> memref<8000xi32, #tpu.memory_space<hbm>>
          tpu.wait_dma2 semaphore(%run_scoped3A : memref<!tpu.dma_semaphore, #tpu.memory_space<semaphore_mem>>) src(%dma_wait3A_253 : memref<8000xi32, #tpu.memory_space<hbm>>) dst(%arg8 : memref<8000xi32, #tpu.memory_space<vmem>>)
          tpu.yield
        }) : () -> ()
        %scan3A_48 = arith.constant 0 : i32
        %scan3A_49 = arith.constant 0 : i32
        %scan3A_50 = arith.constant 500 : i32
        %scan3A_51 = arith.addi %scan3A_49, %scan3A_50 : i32
        %scan3A_52 = arith.constant 1 : i32
        %scan3A_53 = scf.for %scan3A_252 = %scan3A_49 to %scan3A_51 step %scan3A_52 iter_args(%scan3A_253 = %scan3A_48) -> (i32)  : i32 {
          %mul3A_254 = arith.constant 16 : i32
          %mul3A_255 = arith.muli %scan3A_252, %mul3A_254 : i32
          %get3A = arith.index_cast %mul3A_255 : i32 to index
          %get3A_256 = tpu.vector_load %arg7[%get3A] {strides = array<i32>} : memref<8000xi32, #tpu.memory_space<vmem>>, vector<16xi32>,
          %mul3A_257 = arith.constant 16 : i32
          %mul3A_258 = arith.muli %scan3A_252, %mul3A_257 : i32
          %get3A_259 = arith.index_cast %mul3A_258 : i32 to index
          %get3A_260 = tpu.vector_load %arg8[%get3A_259] {strides = array<i32>} : memref<8000xi32, #tpu.memory_space<vmem>>, vector<16xi32>,
          %sub3A_261 = vector.broadcast %mul3A_18 : i32 to vector<16xi32>
          %sub3A_262 = arith.subi %get3A_256, %sub3A_261 : vector<16xi32>
          %ge3A = arith.constant 0 : i32
          %ge3A_263 = vector.broadcast %ge3A : i32 to vector<16xi32>
          %ge3A_264 = arith.cmpi sge, %sub3A_262, %ge3A_263 : vector<16xi32>
          %lt3A = arith.constant 16000 : i32
          %lt3A_265 = vector.broadcast %lt3A : i32 to vector<16xi32>
          %lt3A_266 = arith.cmpi slt, %sub3A_262, %lt3A_265 : vector<16xi32>
          %and3A_267 = arith.andi %ge3A_264, %lt3A_266 : vector<16xi1>
          %mul3A_268 = arith.constant 16 : i32
          %mul3A_269 = arith.muli %scan3A_252, %mul3A_268 : i32
          %add3A_270 = arith.addi %add3A_47, %mul3A_269 : i32
          %add3A_271 = vector.broadcast %add3A_270 : i32 to vector<16xi32>
          %add3A_272 = arith.addi %add3A_271, %iota3A : vector<16xi32>
          %jit3A_273 = arith.constant 1 : i32
          %jit3A_274 = arith.constant 0 : i32
          %broadcast_in_dim3A_275 = vector.broadcast %jit3A_273 : i32 to vector<16xi32>
          %broadcast_in_dim3A_276 = vector.broadcast %jit3A_274 : i32 to vector<16xi32>
          %select_n3A_277 = arith.select %and3A_267, %broadcast_in_dim3A_275, %broadcast_in_dim3A_276 : vector<16xi1>, vector<16xi32>
          %broadcast_in_dim3A_278 = arith.constant true
          %broadcast_in_dim3A_279 = vector.broadcast %broadcast_in_dim3A_278 : i1 to vector<16xi1>
          %masked_cumsum3A = tpu.scan <sum>, %select_n3A_277 masked %broadcast_in_dim3A_279 : vector<16xi32>, vector<16xi1> -> vector<16xi32>
          %add3A_280 = vector.broadcast %scan3A_253 : i32 to vector<16xi32>
          %add3A_281 = arith.addi %add3A_280, %masked_cumsum3A : vector<16xi32>
          %sub3A_282 = arith.constant 1 : i32
          %sub3A_283 = vector.broadcast %sub3A_282 : i32 to vector<16xi32>
          %sub3A_284 = arith.subi %add3A_281, %sub3A_283 : vector<16xi32>
          tpu.vector_store_idx %arg9[%sub3A_284], %add3A_272 masked %and3A_267 : memref<8128xi32, #tpu.memory_space<vmem>>[vector<16xi32>], vector<16xi32>, vector<16xi1>
          tpu.vector_store_idx %arg10[%sub3A_284], %get3A_260 masked %and3A_267 : memref<8128xi32, #tpu.memory_space<vmem>>[vector<16xi32>], vector<16xi32>, vector<16xi1>
          tpu.vector_store_idx %arg11[%sub3A_284], %sub3A_262 masked %and3A_267 : memref<8128xi32, #tpu.memory_space<vmem>>[vector<16xi32>], vector<16xi32>, vector<16xi1>
          %reduce_sum3A = arith.constant true
          %reduce_sum3A_285 = vector.broadcast %reduce_sum3A : i1 to vector<16xi1>
          %reduce_sum3A_286 = tpu.scan <sum>, %select_n3A_277 masked %reduce_sum3A_285 : vector<16xi32>, vector<16xi1> -> vector<16xi32>
          %reduce_sum3A_287 = vector.extract %reduce_sum3A_286[15] : i32 from vector<16xi32>
          %add3A_288 = arith.addi %scan3A_253, %reduce_sum3A_287 : i32
          scf.yield %add3A_288 : i32
        }
        %scan3A_54 = arith.constant 500 : i32
        %mul3A_55 = arith.constant 16 : i32
        %mul3A_56 = vector.broadcast %mul3A_55 : i32 to vector<16xi32>
        %mul3A_57 = arith.muli %iota3A, %mul3A_56 : vector<16xi32>
        %add3A_58 = arith.constant 0 : i32
        %add3A_59 = vector.broadcast %add3A_58 : i32 to vector<16xi32>
        %add3A_60 = arith.addi %mul3A_57, %add3A_59 : vector<16xi32>
        %add3A_61 = arith.constant 0 : i32
        %add3A_62 = arith.addi %scan3A_53, %add3A_61 : i32
        %swap3A = arith.index_cast %add3A_62 : i32 to index
        %swap3A_63 = tpu.vector_load %arg9[%swap3A] {strides = array<i32>} : memref<8128xi32, #tpu.memory_space<vmem>>, vector<16xi32>,
        tpu.vector_store %arg9[%swap3A], %add3A_60 {strides = array<i32>} : memref<8128xi32, #tpu.memory_space<vmem>>, vector<16xi32>,
        %add3A_64 = arith.constant 0 : i32
        %add3A_65 = arith.addi %scan3A_53, %add3A_64 : i32
        %swap3A_66 = arith.index_cast %add3A_65 : i32 to index
        %swap3A_67 = tpu.vector_load %arg10[%swap3A_66] {strides = array<i32>} : memref<8128xi32, #tpu.memory_space<vmem>>, vector<16xi32>,
        tpu.vector_store %arg10[%swap3A_66], %add3A_60 {strides = array<i32>} : memref<8128xi32, #tpu.memory_space<vmem>>, vector<16xi32>,
        %add3A_68 = arith.constant 16000 : i32
        %add3A_69 = vector.broadcast %add3A_68 : i32 to vector<16xi32>
        %add3A_70 = arith.addi %add3A_69, %iota3A : vector<16xi32>
        %add3A_71 = arith.constant 0 : i32
        %add3A_72 = arith.addi %scan3A_53, %add3A_71 : i32
        %swap3A_73 = arith.index_cast %add3A_72 : i32 to index
        %swap3A_74 = tpu.vector_load %arg11[%swap3A_73] {strides = array<i32>} : memref<8128xi32, #tpu.memory_space<vmem>>, vector<16xi32>,
        tpu.vector_store %arg11[%swap3A_73], %add3A_70 {strides = array<i32>} : memref<8128xi32, #tpu.memory_space<vmem>>, vector<16xi32>,
        %mul3A_75 = arith.constant 16 : i32
        %mul3A_76 = vector.broadcast %mul3A_75 : i32 to vector<16xi32>
        %mul3A_77 = arith.muli %iota3A, %mul3A_76 : vector<16xi32>
        %add3A_78 = arith.constant 1 : i32
        %add3A_79 = vector.broadcast %add3A_78 : i32 to vector<16xi32>
        %add3A_80 = arith.addi %mul3A_77, %add3A_79 : vector<16xi32>
        %add3A_81 = arith.constant 16 : i32
        %add3A_82 = arith.addi %scan3A_53, %add3A_81 : i32
        %swap3A_83 = arith.index_cast %add3A_82 : i32 to index
        %swap3A_84 = tpu.vector_load %arg9[%swap3A_83] {strides = array<i32>} : memref<8128xi32, #tpu.memory_space<vmem>>, vector<16xi32>,
        tpu.vector_store %arg9[%swap3A_83], %add3A_80 {strides = array<i32>} : memref<8128xi32, #tpu.memory_space<vmem>>, vector<16xi32>,
        %add3A_85 = arith.constant 16 : i32
        %add3A_86 = arith.addi %scan3A_53, %add3A_85 : i32
        %swap3A_87 = arith.index_cast %add3A_86 : i32 to index
        %swap3A_88 = tpu.vector_load %arg10[%swap3A_87] {strides = array<i32>} : memref<8128xi32, #tpu.memory_space<vmem>>, vector<16xi32>,
        tpu.vector_store %arg10[%swap3A_87], %add3A_80 {strides = array<i32>} : memref<8128xi32, #tpu.memory_space<vmem>>, vector<16xi32>,
        %add3A_89 = arith.constant 16016 : i32
        %add3A_90 = vector.broadcast %add3A_89 : i32 to vector<16xi32>
        %add3A_91 = arith.addi %add3A_90, %iota3A : vector<16xi32>
        %add3A_92 = arith.constant 16 : i32
        %add3A_93 = arith.addi %scan3A_53, %add3A_92 : i32
        %swap3A_94 = arith.index_cast %add3A_93 : i32 to index
        %swap3A_95 = tpu.vector_load %arg11[%swap3A_94] {strides = array<i32>} : memref<8128xi32, #tpu.memory_space<vmem>>, vector<16xi32>,
        tpu.vector_store %arg11[%swap3A_94], %add3A_91 {strides = array<i32>} : memref<8128xi32, #tpu.memory_space<vmem>>, vector<16xi32>,
        %mul3A_96 = arith.constant 16 : i32
        %mul3A_97 = vector.broadcast %mul3A_96 : i32 to vector<16xi32>
        %mul3A_98 = arith.muli %iota3A, %mul3A_97 : vector<16xi32>
        %add3A_99 = arith.constant 2 : i32
        %add3A_100 = vector.broadcast %add3A_99 : i32 to vector<16xi32>
        %add3A_101 = arith.addi %mul3A_98, %add3A_100 : vector<16xi32>
        %add3A_102 = arith.constant 32 : i32
        %add3A_103 = arith.addi %scan3A_53, %add3A_102 : i32
        %swap3A_104 = arith.index_cast %add3A_103 : i32 to index
        %swap3A_105 = tpu.vector_load %arg9[%swap3A_104] {strides = array<i32>} : memref<8128xi32, #tpu.memory_space<vmem>>, vector<16xi32>,
        tpu.vector_store %arg9[%swap3A_104], %add3A_101 {strides = array<i32>} : memref<8128xi32, #tpu.memory_space<vmem>>, vector<16xi32>,
        %add3A_106 = arith.constant 32 : i32
        %add3A_107 = arith.addi %scan3A_53, %add3A_106 : i32
        %swap3A_108 = arith.index_cast %add3A_107 : i32 to index
        %swap3A_109 = tpu.vector_load %arg10[%swap3A_108] {strides = array<i32>} : memref<8128xi32, #tpu.memory_space<vmem>>, vector<16xi32>,
        tpu.vector_store %arg10[%swap3A_108], %add3A_101 {strides = array<i32>} : memref<8128xi32, #tpu.memory_space<vmem>>, vector<16xi32>,
        %add3A_110 = arith.constant 16032 : i32
        %add3A_111 = vector.broadcast %add3A_110 : i32 to vector<16xi32>
        %add3A_112 = arith.addi %add3A_111, %iota3A : vector<16xi32>
        %add3A_113 = arith.constant 32 : i32
        %add3A_114 = arith.addi %scan3A_53, %add3A_113 : i32
        %swap3A_115 = arith.index_cast %add3A_114 : i32 to index
        %swap3A_116 = tpu.vector_load %arg11[%swap3A_115] {strides = array<i32>} : memref<8128xi32, #tpu.memory_space<vmem>>, vector<16xi32>,
        tpu.vector_store %arg11[%swap3A_115], %add3A_112 {strides = array<i32>} : memref<8128xi32, #tpu.memory_space<vmem>>, vector<16xi32>,
        %mul3A_117 = arith.constant 16 : i32
        %mul3A_118 = vector.broadcast %mul3A_117 : i32 to vector<16xi32>
        %mul3A_119 = arith.muli %iota3A, %mul3A_118 : vector<16xi32>
        %add3A_120 = arith.constant 3 : i32
        %add3A_121 = vector.broadcast %add3A_120 : i32 to vector<16xi32>
        %add3A_122 = arith.addi %mul3A_119, %add3A_121 : vector<16xi32>
        %add3A_123 = arith.constant 48 : i32
        %add3A_124 = arith.addi %scan3A_53, %add3A_123 : i32
        %swap3A_125 = arith.index_cast %add3A_124 : i32 to index
        %swap3A_126 = tpu.vector_load %arg9[%swap3A_125] {strides = array<i32>} : memref<8128xi32, #tpu.memory_space<vmem>>, vector<16xi32>,
        tpu.vector_store %arg9[%swap3A_125], %add3A_122 {strides = array<i32>} : memref<8128xi32, #tpu.memory_space<vmem>>, vector<16xi32>,
        %add3A_127 = arith.constant 48 : i32
        %add3A_128 = arith.addi %scan3A_53, %add3A_127 : i32
        %swap3A_129 = arith.index_cast %add3A_128 : i32 to index
        %swap3A_130 = tpu.vector_load %arg10[%swap3A_129] {strides = array<i32>} : memref<8128xi32, #tpu.memory_space<vmem>>, vector<16xi32>,
        tpu.vector_store %arg10[%swap3A_129], %add3A_122 {strides = array<i32>} : memref<8128xi32, #tpu.memory_space<vmem>>, vector<16xi32>,
        %add3A_131 = arith.constant 16048 : i32
        %add3A_132 = vector.broadcast %add3A_131 : i32 to vector<16xi32>
        %add3A_133 = arith.addi %add3A_132, %iota3A : vector<16xi32>
        %add3A_134 = arith.constant 48 : i32
        %add3A_135 = arith.addi %scan3A_53, %add3A_134 : i32
        %swap3A_136 = arith.index_cast %add3A_135 : i32 to index
        %swap3A_137 = tpu.vector_load %arg11[%swap3A_136] {strides = array<i32>} : memref<8128xi32, #tpu.memory_space<vmem>>, vector<16xi32>,
        tpu.vector_store %arg11[%swap3A_136], %add3A_133 {strides = array<i32>} : memref<8128xi32, #tpu.memory_space<vmem>>, vector<16xi32>,
        %mul3A_138 = arith.constant 16 : i32
        %mul3A_139 = vector.broadcast %mul3A_138 : i32 to vector<16xi32>
        %mul3A_140 = arith.muli %iota3A, %mul3A_139 : vector<16xi32>
        %add3A_141 = arith.constant 4 : i32
        %add3A_142 = vector.broadcast %add3A_141 : i32 to vector<16xi32>
        %add3A_143 = arith.addi %mul3A_140, %add3A_142 : vector<16xi32>
        %add3A_144 = arith.constant 64 : i32
        %add3A_145 = arith.addi %scan3A_53, %add3A_144 : i32
        %swap3A_146 = arith.index_cast %add3A_145 : i32 to index
        %swap3A_147 = tpu.vector_load %arg9[%swap3A_146] {strides = array<i32>} : memref<8128xi32, #tpu.memory_space<vmem>>, vector<16xi32>,
        tpu.vector_store %arg9[%swap3A_146], %add3A_143 {strides = array<i32>} : memref<8128xi32, #tpu.memory_space<vmem>>, vector<16xi32>,
        %add3A_148 = arith.constant 64 : i32
        %add3A_149 = arith.addi %scan3A_53, %add3A_148 : i32
        %swap3A_150 = arith.index_cast %add3A_149 : i32 to index
        %swap3A_151 = tpu.vector_load %arg10[%swap3A_150] {strides = array<i32>} : memref<8128xi32, #tpu.memory_space<vmem>>, vector<16xi32>,
        tpu.vector_store %arg10[%swap3A_150], %add3A_143 {strides = array<i32>} : memref<8128xi32, #tpu.memory_space<vmem>>, vector<16xi32>,
        %add3A_152 = arith.constant 16064 : i32
        %add3A_153 = vector.broadcast %add3A_152 : i32 to vector<16xi32>
        %add3A_154 = arith.addi %add3A_153, %iota3A : vector<16xi32>
        %add3A_155 = arith.constant 64 : i32
        %add3A_156 = arith.addi %scan3A_53, %add3A_155 : i32
        %swap3A_157 = arith.index_cast %add3A_156 : i32 to index
        %swap3A_158 = tpu.vector_load %arg11[%swap3A_157] {strides = array<i32>} : memref<8128xi32, #tpu.memory_space<vmem>>, vector<16xi32>,
        tpu.vector_store %arg11[%swap3A_157], %add3A_154 {strides = array<i32>} : memref<8128xi32, #tpu.memory_space<vmem>>, vector<16xi32>,
        %mul3A_159 = arith.constant 16 : i32
        %mul3A_160 = vector.broadcast %mul3A_159 : i32 to vector<16xi32>
        %mul3A_161 = arith.muli %iota3A, %mul3A_160 : vector<16xi32>
        %add3A_162 = arith.constant 5 : i32
        %add3A_163 = vector.broadcast %add3A_162 : i32 to vector<16xi32>
        %add3A_164 = arith.addi %mul3A_161, %add3A_163 : vector<16xi32>
        %add3A_165 = arith.constant 80 : i32
        %add3A_166 = arith.addi %scan3A_53, %add3A_165 : i32
        %swap3A_167 = arith.index_cast %add3A_166 : i32 to index
        %swap3A_168 = tpu.vector_load %arg9[%swap3A_167] {strides = array<i32>} : memref<8128xi32, #tpu.memory_space<vmem>>, vector<16xi32>,
        tpu.vector_store %arg9[%swap3A_167], %add3A_164 {strides = array<i32>} : memref<8128xi32, #tpu.memory_space<vmem>>, vector<16xi32>,
        %add3A_169 = arith.constant 80 : i32
        %add3A_170 = arith.addi %scan3A_53, %add3A_169 : i32
        %swap3A_171 = arith.index_cast %add3A_170 : i32 to index
        %swap3A_172 = tpu.vector_load %arg10[%swap3A_171] {strides = array<i32>} : memref<8128xi32, #tpu.memory_space<vmem>>, vector<16xi32>,
        tpu.vector_store %arg10[%swap3A_171], %add3A_164 {strides = array<i32>} : memref<8128xi32, #tpu.memory_space<vmem>>, vector<16xi32>,
        %add3A_173 = arith.constant 16080 : i32
        %add3A_174 = vector.broadcast %add3A_173 : i32 to vector<16xi32>
        %add3A_175 = arith.addi %add3A_174, %iota3A : vector<16xi32>
        %add3A_176 = arith.constant 80 : i32
        %add3A_177 = arith.addi %scan3A_53, %add3A_176 : i32
        %swap3A_178 = arith.index_cast %add3A_177 : i32 to index
        %swap3A_179 = tpu.vector_load %arg11[%swap3A_178] {strides = array<i32>} : memref<8128xi32, #tpu.memory_space<vmem>>, vector<16xi32>,
        tpu.vector_store %arg11[%swap3A_178], %add3A_175 {strides = array<i32>} : memref<8128xi32, #tpu.memory_space<vmem>>, vector<16xi32>,
        %mul3A_180 = arith.constant 16 : i32
        %mul3A_181 = vector.broadcast %mul3A_180 : i32 to vector<16xi32>
        %mul3A_182 = arith.muli %iota3A, %mul3A_181 : vector<16xi32>
        %add3A_183 = arith.constant 6 : i32
        %add3A_184 = vector.broadcast %add3A_183 : i32 to vector<16xi32>
        %add3A_185 = arith.addi %mul3A_182, %add3A_184 : vector<16xi32>
        %add3A_186 = arith.constant 96 : i32
        %add3A_187 = arith.addi %scan3A_53, %add3A_186 : i32
        %swap3A_188 = arith.index_cast %add3A_187 : i32 to index
        %swap3A_189 = tpu.vector_load %arg9[%swap3A_188] {strides = array<i32>} : memref<8128xi32, #tpu.memory_space<vmem>>, vector<16xi32>,
        tpu.vector_store %arg9[%swap3A_188], %add3A_185 {strides = array<i32>} : memref<8128xi32, #tpu.memory_space<vmem>>, vector<16xi32>,
        %add3A_190 = arith.constant 96 : i32
        %add3A_191 = arith.addi %scan3A_53, %add3A_190 : i32
        %swap3A_192 = arith.index_cast %add3A_191 : i32 to index
        %swap3A_193 = tpu.vector_load %arg10[%swap3A_192] {strides = array<i32>} : memref<8128xi32, #tpu.memory_space<vmem>>, vector<16xi32>,
        tpu.vector_store %arg10[%swap3A_192], %add3A_185 {strides = array<i32>} : memref<8128xi32, #tpu.memory_space<vmem>>, vector<16xi32>,
        %add3A_194 = arith.constant 16096 : i32
        %add3A_195 = vector.broadcast %add3A_194 : i32 to vector<16xi32>
        %add3A_196 = arith.addi %add3A_195, %iota3A : vector<16xi32>
        %add3A_197 = arith.constant 96 : i32
        %add3A_198 = arith.addi %scan3A_53, %add3A_197 : i32
        %swap3A_199 = arith.index_cast %add3A_198 : i32 to index
        %swap3A_200 = tpu.vector_load %arg11[%swap3A_199] {strides = array<i32>} : memref<8128xi32, #tpu.memory_space<vmem>>, vector<16xi32>,
        tpu.vector_store %arg11[%swap3A_199], %add3A_196 {strides = array<i32>} : memref<8128xi32, #tpu.memory_space<vmem>>, vector<16xi32>,
        %mul3A_201 = arith.constant 16 : i32
        %mul3A_202 = vector.broadcast %mul3A_201 : i32 to vector<16xi32>
        %mul3A_203 = arith.muli %iota3A, %mul3A_202 : vector<16xi32>
        %add3A_204 = arith.constant 7 : i32
        %add3A_205 = vector.broadcast %add3A_204 : i32 to vector<16xi32>
        %add3A_206 = arith.addi %mul3A_203, %add3A_205 : vector<16xi32>
        %add3A_207 = arith.constant 112 : i32
        %add3A_208 = arith.addi %scan3A_53, %add3A_207 : i32
        %swap3A_209 = arith.index_cast %add3A_208 : i32 to index
        %swap3A_210 = tpu.vector_load %arg9[%swap3A_209] {strides = array<i32>} : memref<8128xi32, #tpu.memory_space<vmem>>, vector<16xi32>,
        tpu.vector_store %arg9[%swap3A_209], %add3A_206 {strides = array<i32>} : memref<8128xi32, #tpu.memory_space<vmem>>, vector<16xi32>,
        %add3A_211 = arith.constant 112 : i32
        %add3A_212 = arith.addi %scan3A_53, %add3A_211 : i32
        %swap3A_213 = arith.index_cast %add3A_212 : i32 to index
        %swap3A_214 = tpu.vector_load %arg10[%swap3A_213] {strides = array<i32>} : memref<8128xi32, #tpu.memory_space<vmem>>, vector<16xi32>,
        tpu.vector_store %arg10[%swap3A_213], %add3A_206 {strides = array<i32>} : memref<8128xi32, #tpu.memory_space<vmem>>, vector<16xi32>,
        %add3A_215 = arith.constant 16112 : i32
        %add3A_216 = vector.broadcast %add3A_215 : i32 to vector<16xi32>
        %add3A_217 = arith.addi %add3A_216, %iota3A : vector<16xi32>
        %add3A_218 = arith.constant 112 : i32
        %add3A_219 = arith.addi %scan3A_53, %add3A_218 : i32
        %swap3A_220 = arith.index_cast %add3A_219 : i32 to index
        %swap3A_221 = tpu.vector_load %arg11[%swap3A_220] {strides = array<i32>} : memref<8128xi32, #tpu.memory_space<vmem>>, vector<16xi32>,
        tpu.vector_store %arg11[%swap3A_220], %add3A_217 {strides = array<i32>} : memref<8128xi32, #tpu.memory_space<vmem>>, vector<16xi32>,
        %add3A_222 = arith.constant 127 : i32
        %add3A_223 = arith.addi %scan3A_53, %add3A_222 : i32
        %jit3A = arith.constant 128 : i32
        %div3A = arith.divsi %add3A_223, %jit3A : i32
        %sign3A = arith.constant 0 : i32
        %sign3A_224 = arith.cmpi sgt, %add3A_223, %sign3A : i32
        %sign3A_225 = arith.extui %sign3A_224 : i1 to i32
        %sign3A_226 = arith.constant 0 : i32
        %sign3A_227 = arith.cmpi slt, %add3A_223, %sign3A_226 : i32
        %sign3A_228 = arith.extui %sign3A_227 : i1 to i32
        %sign3A_229 = arith.subi %sign3A_225, %sign3A_228 : i32
        %sign3A_230 = arith.constant 0 : i32
        %sign3A_231 = arith.cmpi sgt, %jit3A, %sign3A_230 : i32
        %sign3A_232 = arith.extui %sign3A_231 : i1 to i32
        %sign3A_233 = arith.constant 0 : i32
        %sign3A_234 = arith.cmpi slt, %jit3A, %sign3A_233 : i32
        %sign3A_235 = arith.extui %sign3A_234 : i1 to i32
        %sign3A_236 = arith.subi %sign3A_232, %sign3A_235 : i32
        %ne3A = arith.cmpi ne, %sign3A_229, %sign3A_236 : i32
        %rem3A = arith.remsi %add3A_223, %jit3A : i32
        %ne3A_237 = arith.constant 0 : i32
        %ne3A_238 = arith.cmpi ne, %rem3A, %ne3A_237 : i32
        %and3A = arith.andi %ne3A, %ne3A_238 : i1
        %sub3A = arith.constant 1 : i32
        %sub3A_239 = arith.subi %div3A, %sub3A : i32
        %select_n3A = arith.select %and3A, %sub3A_239, %div3A : i32
        %while3A = arith.constant 0 : i32
        %while3A_240 = arith.constant 0 : i32
        %while3A_241 = arith.subi %select_n3A, %while3A : i32
        %while3A_242 = arith.addi %while3A, %while3A_241 : i32
        %while3A_243 = arith.constant 1 : i32
        %while3A_244 = arith.divsi %while3A_241, %while3A_243 : i32
        %while3A_245 = arith.muli %while3A_244, %while3A_243 : i32
        %while3A_246 = arith.addi %while3A, %while3A_245 : i32
        %while3A_247 = arith.constant 1 : i32
        %while3A_248 = scf.for %while3A_252 = %while3A to %while3A_246 step %while3A_247 iter_args(%while3A_253 = %while3A_240) -> (i32)  : i32 {
          %mul3A_254 = arith.constant 128 : i32
          %mul3A_255 = arith.muli %while3A_252, %mul3A_254 : i32
          %add3A_256 = arith.constant 0 : i32
          %add3A_257 = arith.addi %mul3A_255, %add3A_256 : i32
          %get3A = arith.index_cast %add3A_257 : i32 to index
          %get3A_258 = tpu.vector_load %arg9[%get3A] {strides = array<i32>} : memref<8128xi32, #tpu.memory_space<vmem>>, vector<16xi32>,
          %swap3A_259 = arith.constant 0 : index
          %swap3A_260 = tpu.vector_load %arg12[%swap3A_259] {strides = array<i32>} : memref<128xi32, #tpu.memory_space<vmem>>, vector<16xi32>,
          tpu.vector_store %arg12[%swap3A_259], %get3A_258 {strides = array<i32>} : memref<128xi32, #tpu.memory_space<vmem>>, vector<16xi32>,
          %get3A_261 = arith.index_cast %add3A_257 : i32 to index
          %get3A_262 = tpu.vector_load %arg10[%get3A_261] {strides = array<i32>} : memref<8128xi32, #tpu.memory_space<vmem>>, vector<16xi32>,
          %swap3A_263 = arith.constant 0 : index
          %swap3A_264 = tpu.vector_load %arg13[%swap3A_263] {strides = array<i32>} : memref<128xi32, #tpu.memory_space<vmem>>, vector<16xi32>,
          tpu.vector_store %arg13[%swap3A_263], %get3A_262 {strides = array<i32>} : memref<128xi32, #tpu.memory_space<vmem>>, vector<16xi32>,
          %get3A_265 = arith.index_cast %add3A_257 : i32 to index
          %get3A_266 = tpu.vector_load %arg11[%get3A_265] {strides = array<i32>} : memref<8128xi32, #tpu.memory_space<vmem>>, vector<16xi32>,
          %swap3A_267 = arith.constant 0 : index
          %swap3A_268 = tpu.vector_load %arg14[%swap3A_267] {strides = array<i32>} : memref<128xi32, #tpu.memory_space<vmem>>, vector<16xi32>,
          tpu.vector_store %arg14[%swap3A_267], %get3A_266 {strides = array<i32>} : memref<128xi32, #tpu.memory_space<vmem>>, vector<16xi32>,
          %mul3A_269 = arith.constant 128 : i32
          %mul3A_270 = arith.muli %while3A_252, %mul3A_269 : i32
          %add3A_271 = arith.constant 16 : i32
          %add3A_272 = arith.addi %mul3A_270, %add3A_271 : i32
          %get3A_273 = arith.index_cast %add3A_272 : i32 to index
          %get3A_274 = tpu.vector_load %arg9[%get3A_273] {strides = array<i32>} : memref<8128xi32, #tpu.memory_space<vmem>>, vector<16xi32>,
          %swap3A_275 = arith.constant 16 : index
          %swap3A_276 = tpu.vector_load %arg12[%swap3A_275] {strides = array<i32>} : memref<128xi32, #tpu.memory_space<vmem>>, vector<16xi32>,
          tpu.vector_store %arg12[%swap3A_275], %get3A_274 {strides = array<i32>} : memref<128xi32, #tpu.memory_space<vmem>>, vector<16xi32>,
          %get3A_277 = arith.index_cast %add3A_272 : i32 to index
          %get3A_278 = tpu.vector_load %arg10[%get3A_277] {strides = array<i32>} : memref<8128xi32, #tpu.memory_space<vmem>>, vector<16xi32>,
          %swap3A_279 = arith.constant 16 : index
          %swap3A_280 = tpu.vector_load %arg13[%swap3A_279] {strides = array<i32>} : memref<128xi32, #tpu.memory_space<vmem>>, vector<16xi32>,
          tpu.vector_store %arg13[%swap3A_279], %get3A_278 {strides = array<i32>} : memref<128xi32, #tpu.memory_space<vmem>>, vector<16xi32>,
          %get3A_281 = arith.index_cast %add3A_272 : i32 to index
          %get3A_282 = tpu.vector_load %arg11[%get3A_281] {strides = array<i32>} : memref<8128xi32, #tpu.memory_space<vmem>>, vector<16xi32>,
          %swap3A_283 = arith.constant 16 : index
          %swap3A_284 = tpu.vector_load %arg14[%swap3A_283] {strides = array<i32>} : memref<128xi32, #tpu.memory_space<vmem>>, vector<16xi32>,
          tpu.vector_store %arg14[%swap3A_283], %get3A_282 {strides = array<i32>} : memref<128xi32, #tpu.memory_space<vmem>>, vector<16xi32>,
          %mul3A_285 = arith.constant 128 : i32
          %mul3A_286 = arith.muli %while3A_252, %mul3A_285 : i32
          %add3A_287 = arith.constant 32 : i32
          %add3A_288 = arith.addi %mul3A_286, %add3A_287 : i32
          %get3A_289 = arith.index_cast %add3A_288 : i32 to index
          %get3A_290 = tpu.vector_load %arg9[%get3A_289] {strides = array<i32>} : memref<8128xi32, #tpu.memory_space<vmem>>, vector<16xi32>,
          %swap3A_291 = arith.constant 32 : index
          %swap3A_292 = tpu.vector_load %arg12[%swap3A_291] {strides = array<i32>} : memref<128xi32, #tpu.memory_space<vmem>>, vector<16xi32>,
          tpu.vector_store %arg12[%swap3A_291], %get3A_290 {strides = array<i32>} : memref<128xi32, #tpu.memory_space<vmem>>, vector<16xi32>,
          %get3A_293 = arith.index_cast %add3A_288 : i32 to index
          %get3A_294 = tpu.vector_load %arg10[%get3A_293] {strides = array<i32>} : memref<8128xi32, #tpu.memory_space<vmem>>, vector<16xi32>,
          %swap3A_295 = arith.constant 32 : index
          %swap3A_296 = tpu.vector_load %arg13[%swap3A_295] {strides = array<i32>} : memref<128xi32, #tpu.memory_space<vmem>>, vector<16xi32>,
          tpu.vector_store %arg13[%swap3A_295], %get3A_294 {strides = array<i32>} : memref<128xi32, #tpu.memory_space<vmem>>, vector<16xi32>,
          %get3A_297 = arith.index_cast %add3A_288 : i32 to index
          %get3A_298 = tpu.vector_load %arg11[%get3A_297] {strides = array<i32>} : memref<8128xi32, #tpu.memory_space<vmem>>, vector<16xi32>,
          %swap3A_299 = arith.constant 32 : index
          %swap3A_300 = tpu.vector_load %arg14[%swap3A_299] {strides = array<i32>} : memref<128xi32, #tpu.memory_space<vmem>>, vector<16xi32>,
          tpu.vector_store %arg14[%swap3A_299], %get3A_298 {strides = array<i32>} : memref<128xi32, #tpu.memory_space<vmem>>, vector<16xi32>,
          %mul3A_301 = arith.constant 128 : i32
          %mul3A_302 = arith.muli %while3A_252, %mul3A_301 : i32
          %add3A_303 = arith.constant 48 : i32
          %add3A_304 = arith.addi %mul3A_302, %add3A_303 : i32
          %get3A_305 = arith.index_cast %add3A_304 : i32 to index
          %get3A_306 = tpu.vector_load %arg9[%get3A_305] {strides = array<i32>} : memref<8128xi32, #tpu.memory_space<vmem>>, vector<16xi32>,
          %swap3A_307 = arith.constant 48 : index
          %swap3A_308 = tpu.vector_load %arg12[%swap3A_307] {strides = array<i32>} : memref<128xi32, #tpu.memory_space<vmem>>, vector<16xi32>,
          tpu.vector_store %arg12[%swap3A_307], %get3A_306 {strides = array<i32>} : memref<128xi32, #tpu.memory_space<vmem>>, vector<16xi32>,
          %get3A_309 = arith.index_cast %add3A_304 : i32 to index
          %get3A_310 = tpu.vector_load %arg10[%get3A_309] {strides = array<i32>} : memref<8128xi32, #tpu.memory_space<vmem>>, vector<16xi32>,
          %swap3A_311 = arith.constant 48 : index
          %swap3A_312 = tpu.vector_load %arg13[%swap3A_311] {strides = array<i32>} : memref<128xi32, #tpu.memory_space<vmem>>, vector<16xi32>,
          tpu.vector_store %arg13[%swap3A_311], %get3A_310 {strides = array<i32>} : memref<128xi32, #tpu.memory_space<vmem>>, vector<16xi32>,
          %get3A_313 = arith.index_cast %add3A_304 : i32 to index
          %get3A_314 = tpu.vector_load %arg11[%get3A_313] {strides = array<i32>} : memref<8128xi32, #tpu.memory_space<vmem>>, vector<16xi32>,
          %swap3A_315 = arith.constant 48 : index
          %swap3A_316 = tpu.vector_load %arg14[%swap3A_315] {strides = array<i32>} : memref<128xi32, #tpu.memory_space<vmem>>, vector<16xi32>,
          tpu.vector_store %arg14[%swap3A_315], %get3A_314 {strides = array<i32>} : memref<128xi32, #tpu.memory_space<vmem>>, vector<16xi32>,
          %mul3A_317 = arith.constant 128 : i32
          %mul3A_318 = arith.muli %while3A_252, %mul3A_317 : i32
          %add3A_319 = arith.constant 64 : i32
          %add3A_320 = arith.addi %mul3A_318, %add3A_319 : i32
          %get3A_321 = arith.index_cast %add3A_320 : i32 to index
          %get3A_322 = tpu.vector_load %arg9[%get3A_321] {strides = array<i32>} : memref<8128xi32, #tpu.memory_space<vmem>>, vector<16xi32>,
          %swap3A_323 = arith.constant 64 : index
          %swap3A_324 = tpu.vector_load %arg12[%swap3A_323] {strides = array<i32>} : memref<128xi32, #tpu.memory_space<vmem>>, vector<16xi32>,
          tpu.vector_store %arg12[%swap3A_323], %get3A_322 {strides = array<i32>} : memref<128xi32, #tpu.memory_space<vmem>>, vector<16xi32>,
          %get3A_325 = arith.index_cast %add3A_320 : i32 to index
          %get3A_326 = tpu.vector_load %arg10[%get3A_325] {strides = array<i32>} : memref<8128xi32, #tpu.memory_space<vmem>>, vector<16xi32>,
          %swap3A_327 = arith.constant 64 : index
          %swap3A_328 = tpu.vector_load %arg13[%swap3A_327] {strides = array<i32>} : memref<128xi32, #tpu.memory_space<vmem>>, vector<16xi32>,
          tpu.vector_store %arg13[%swap3A_327], %get3A_326 {strides = array<i32>} : memref<128xi32, #tpu.memory_space<vmem>>, vector<16xi32>,
          %get3A_329 = arith.index_cast %add3A_320 : i32 to index
          %get3A_330 = tpu.vector_load %arg11[%get3A_329] {strides = array<i32>} : memref<8128xi32, #tpu.memory_space<vmem>>, vector<16xi32>,
          %swap3A_331 = arith.constant 64 : index
          %swap3A_332 = tpu.vector_load %arg14[%swap3A_331] {strides = array<i32>} : memref<128xi32, #tpu.memory_space<vmem>>, vector<16xi32>,
          tpu.vector_store %arg14[%swap3A_331], %get3A_330 {strides = array<i32>} : memref<128xi32, #tpu.memory_space<vmem>>, vector<16xi32>,
          %mul3A_333 = arith.constant 128 : i32
          %mul3A_334 = arith.muli %while3A_252, %mul3A_333 : i32
          %add3A_335 = arith.constant 80 : i32
          %add3A_336 = arith.addi %mul3A_334, %add3A_335 : i32
          %get3A_337 = arith.index_cast %add3A_336 : i32 to index
          %get3A_338 = tpu.vector_load %arg9[%get3A_337] {strides = array<i32>} : memref<8128xi32, #tpu.memory_space<vmem>>, vector<16xi32>,
          %swap3A_339 = arith.constant 80 : index
          %swap3A_340 = tpu.vector_load %arg12[%swap3A_339] {strides = array<i32>} : memref<128xi32, #tpu.memory_space<vmem>>, vector<16xi32>,
          tpu.vector_store %arg12[%swap3A_339], %get3A_338 {strides = array<i32>} : memref<128xi32, #tpu.memory_space<vmem>>, vector<16xi32>,
          %get3A_341 = arith.index_cast %add3A_336 : i32 to index
          %get3A_342 = tpu.vector_load %arg10[%get3A_341] {strides = array<i32>} : memref<8128xi32, #tpu.memory_space<vmem>>, vector<16xi32>,
          %swap3A_343 = arith.constant 80 : index
          %swap3A_344 = tpu.vector_load %arg13[%swap3A_343] {strides = array<i32>} : memref<128xi32, #tpu.memory_space<vmem>>, vector<16xi32>,
          tpu.vector_store %arg13[%swap3A_343], %get3A_342 {strides = array<i32>} : memref<128xi32, #tpu.memory_space<vmem>>, vector<16xi32>,
          %get3A_345 = arith.index_cast %add3A_336 : i32 to index
          %get3A_346 = tpu.vector_load %arg11[%get3A_345] {strides = array<i32>} : memref<8128xi32, #tpu.memory_space<vmem>>, vector<16xi32>,
          %swap3A_347 = arith.constant 80 : index
          %swap3A_348 = tpu.vector_load %arg14[%swap3A_347] {strides = array<i32>} : memref<128xi32, #tpu.memory_space<vmem>>, vector<16xi32>,
          tpu.vector_store %arg14[%swap3A_347], %get3A_346 {strides = array<i32>} : memref<128xi32, #tpu.memory_space<vmem>>, vector<16xi32>,
          %mul3A_349 = arith.constant 128 : i32
          %mul3A_350 = arith.muli %while3A_252, %mul3A_349 : i32
          %add3A_351 = arith.constant 96 : i32
          %add3A_352 = arith.addi %mul3A_350, %add3A_351 : i32
          %get3A_353 = arith.index_cast %add3A_352 : i32 to index
          %get3A_354 = tpu.vector_load %arg9[%get3A_353] {strides = array<i32>} : memref<8128xi32, #tpu.memory_space<vmem>>, vector<16xi32>,
          %swap3A_355 = arith.constant 96 : index
          %swap3A_356 = tpu.vector_load %arg12[%swap3A_355] {strides = array<i32>} : memref<128xi32, #tpu.memory_space<vmem>>, vector<16xi32>,
          tpu.vector_store %arg12[%swap3A_355], %get3A_354 {strides = array<i32>} : memref<128xi32, #tpu.memory_space<vmem>>, vector<16xi32>,
          %get3A_357 = arith.index_cast %add3A_352 : i32 to index
          %get3A_358 = tpu.vector_load %arg10[%get3A_357] {strides = array<i32>} : memref<8128xi32, #tpu.memory_space<vmem>>, vector<16xi32>,
          %swap3A_359 = arith.constant 96 : index
          %swap3A_360 = tpu.vector_load %arg13[%swap3A_359] {strides = array<i32>} : memref<128xi32, #tpu.memory_space<vmem>>, vector<16xi32>,
          tpu.vector_store %arg13[%swap3A_359], %get3A_358 {strides = array<i32>} : memref<128xi32, #tpu.memory_space<vmem>>, vector<16xi32>,
          %get3A_361 = arith.index_cast %add3A_352 : i32 to index
          %get3A_362 = tpu.vector_load %arg11[%get3A_361] {strides = array<i32>} : memref<8128xi32, #tpu.memory_space<vmem>>, vector<16xi32>,
          %swap3A_363 = arith.constant 96 : index
          %swap3A_364 = tpu.vector_load %arg14[%swap3A_363] {strides = array<i32>} : memref<128xi32, #tpu.memory_space<vmem>>, vector<16xi32>,
          tpu.vector_store %arg14[%swap3A_363], %get3A_362 {strides = array<i32>} : memref<128xi32, #tpu.memory_space<vmem>>, vector<16xi32>,
          %mul3A_365 = arith.constant 128 : i32
          %mul3A_366 = arith.muli %while3A_252, %mul3A_365 : i32
          %add3A_367 = arith.constant 112 : i32
          %add3A_368 = arith.addi %mul3A_366, %add3A_367 : i32
          %get3A_369 = arith.index_cast %add3A_368 : i32 to index
          %get3A_370 = tpu.vector_load %arg9[%get3A_369] {strides = array<i32>} : memref<8128xi32, #tpu.memory_space<vmem>>, vector<16xi32>,
          %swap3A_371 = arith.constant 112 : index
          %swap3A_372 = tpu.vector_load %arg12[%swap3A_371] {strides = array<i32>} : memref<128xi32, #tpu.memory_space<vmem>>, vector<16xi32>,
          tpu.vector_store %arg12[%swap3A_371], %get3A_370 {strides = array<i32>} : memref<128xi32, #tpu.memory_space<vmem>>, vector<16xi32>,
          %get3A_373 = arith.index_cast %add3A_368 : i32 to index
          %get3A_374 = tpu.vector_load %arg10[%get3A_373] {strides = array<i32>} : memref<8128xi32, #tpu.memory_space<vmem>>, vector<16xi32>,
          %swap3A_375 = arith.constant 112 : index
          %swap3A_376 = tpu.vector_load %arg13[%swap3A_375] {strides = array<i32>} : memref<128xi32, #tpu.memory_space<vmem>>, vector<16xi32>,
          tpu.vector_store %arg13[%swap3A_375], %get3A_374 {strides = array<i32>} : memref<128xi32, #tpu.memory_space<vmem>>, vector<16xi32>,
          %get3A_377 = arith.index_cast %add3A_368 : i32 to index
          %get3A_378 = tpu.vector_load %arg11[%get3A_377] {strides = array<i32>} : memref<8128xi32, #tpu.memory_space<vmem>>, vector<16xi32>,
          %swap3A_379 = arith.constant 112 : index
          %swap3A_380 = tpu.vector_load %arg14[%swap3A_379] {strides = array<i32>} : memref<128xi32, #tpu.memory_space<vmem>>, vector<16xi32>,
          tpu.vector_store %arg14[%swap3A_379], %get3A_378 {strides = array<i32>} : memref<128xi32, #tpu.memory_space<vmem>>, vector<16xi32>,
          %dma_start3A = arith.constant 0 : i32
          %dma_start3A_381 = arith.constant 0 : i32
          %dma_start3A_382 = tpu.memref_slice %arg3[%dma_start3A, %dma_start3A_381] : memref<640000x64xf32, #tpu.memory_space<hbm>> -> memref<640000x64xf32, #tpu.memory_space<hbm>>
          tpu.enqueue_indirect_dma source(%dma_start3A_382 : memref<640000x64xf32, #tpu.memory_space<hbm>>) target(%arg15 : memref<128x64xf32, #tpu.memory_space<vmem>>) offsets(%arg12 : memref<128xi32, #tpu.memory_space<vmem>>) semaphore(%arg19 : memref<!tpu.dma_semaphore, #tpu.memory_space<semaphore_mem>>)
          %dma_start3A_383 = arith.constant 0 : i32
          %dma_start3A_384 = arith.constant 0 : i32
          %dma_start3A_385 = tpu.memref_slice %arg2[%dma_start3A_383, %dma_start3A_384] : memref<320000x64xf32, #tpu.memory_space<hbm>> -> memref<320000x64xf32, #tpu.memory_space<hbm>>
          tpu.enqueue_indirect_dma source(%dma_start3A_385 : memref<320000x64xf32, #tpu.memory_space<hbm>>) target(%arg16 : memref<128x64xf32, #tpu.memory_space<vmem>>) offsets(%arg13 : memref<128xi32, #tpu.memory_space<vmem>>) semaphore(%arg20 : memref<!tpu.dma_semaphore, #tpu.memory_space<semaphore_mem>>)
          %dma_wait3A = arith.constant 0 : i32
          %dma_wait3A_386 = arith.constant 0 : i32
          %dma_wait3A_387 = tpu.memref_slice %arg3[%dma_wait3A, %dma_wait3A_386] : memref<640000x64xf32, #tpu.memory_space<hbm>> -> memref<640000x64xf32, #tpu.memory_space<hbm>>
          tpu.wait_indirect_dma semaphore(%arg19 : memref<!tpu.dma_semaphore, #tpu.memory_space<semaphore_mem>>) src(%dma_wait3A_387 : memref<640000x64xf32, #tpu.memory_space<hbm>>) dst(%arg15 : memref<128x64xf32, #tpu.memory_space<vmem>>)
          %dma_wait3A_388 = arith.constant 0 : i32
          %dma_wait3A_389 = arith.constant 0 : i32
          %dma_wait3A_390 = tpu.memref_slice %arg2[%dma_wait3A_388, %dma_wait3A_389] : memref<320000x64xf32, #tpu.memory_space<hbm>> -> memref<320000x64xf32, #tpu.memory_space<hbm>>
          tpu.wait_indirect_dma semaphore(%arg20 : memref<!tpu.dma_semaphore, #tpu.memory_space<semaphore_mem>>) src(%dma_wait3A_390 : memref<320000x64xf32, #tpu.memory_space<hbm>>) dst(%arg16 : memref<128x64xf32, #tpu.memory_space<vmem>>)
          %scan3A_391 = arith.constant 0 : i32
          %scan3A_392 = arith.constant 0 : i32
          %scan3A_393 = arith.constant 128 : i32
          %scan3A_394 = arith.addi %scan3A_392, %scan3A_393 : i32
          %scan3A_395 = arith.constant 1 : i32
          %scan3A_396 = scf.for %scan3A_399 = %scan3A_392 to %scan3A_394 step %scan3A_395 iter_args(%scan3A_400 = %scan3A_391) -> (i32)  : i32 {
            %get3A_401 = arith.index_cast %scan3A_399 : i32 to index
            %get3A_402 = arith.constant 0 : index
            %get3A_403 = tpu.vector_load %arg16[%get3A_401, %get3A_402] {strides = array<i32>} : memref<128x64xf32, #tpu.memory_space<vmem>>, vector<16xf32>,
            %get3A_404 = arith.index_cast %scan3A_399 : i32 to index
            %get3A_405 = arith.constant 0 : index
            %get3A_406 = tpu.vector_load %arg15[%get3A_404, %get3A_405] {strides = array<i32>} : memref<128x64xf32, #tpu.memory_space<vmem>>, vector<16xf32>,
            %mul3A_407 = arith.mulf %get3A_403, %get3A_406 : vector<16xf32>
            %swap3A_408 = arith.index_cast %scan3A_399 : i32 to index
            %swap3A_409 = arith.constant 0 : index
            %swap3A_410 = tpu.vector_load %arg16[%swap3A_408, %swap3A_409] {strides = array<i32>} : memref<128x64xf32, #tpu.memory_space<vmem>>, vector<16xf32>,
            tpu.vector_store %arg16[%swap3A_408, %swap3A_409], %mul3A_407 {strides = array<i32>} : memref<128x64xf32, #tpu.memory_space<vmem>>, vector<16xf32>,
            %get3A_411 = arith.index_cast %scan3A_399 : i32 to index
            %get3A_412 = arith.constant 16 : index
            %get3A_413 = tpu.vector_load %arg16[%get3A_411, %get3A_412] {strides = array<i32>} : memref<128x64xf32, #tpu.memory_space<vmem>>, vector<16xf32>,
            %get3A_414 = arith.index_cast %scan3A_399 : i32 to index
            %get3A_415 = arith.constant 16 : index
            %get3A_416 = tpu.vector_load %arg15[%get3A_414, %get3A_415] {strides = array<i32>} : memref<128x64xf32, #tpu.memory_space<vmem>>, vector<16xf32>,
            %mul3A_417 = arith.mulf %get3A_413, %get3A_416 : vector<16xf32>
            %swap3A_418 = arith.index_cast %scan3A_399 : i32 to index
            %swap3A_419 = arith.constant 16 : index
            %swap3A_420 = tpu.vector_load %arg16[%swap3A_418, %swap3A_419] {strides = array<i32>} : memref<128x64xf32, #tpu.memory_space<vmem>>, vector<16xf32>,
            tpu.vector_store %arg16[%swap3A_418, %swap3A_419], %mul3A_417 {strides = array<i32>} : memref<128x64xf32, #tpu.memory_space<vmem>>, vector<16xf32>,
            %get3A_421 = arith.index_cast %scan3A_399 : i32 to index
            %get3A_422 = arith.constant 32 : index
            %get3A_423 = tpu.vector_load %arg16[%get3A_421, %get3A_422] {strides = array<i32>} : memref<128x64xf32, #tpu.memory_space<vmem>>, vector<16xf32>,
            %get3A_424 = arith.index_cast %scan3A_399 : i32 to index
            %get3A_425 = arith.constant 32 : index
            %get3A_426 = tpu.vector_load %arg15[%get3A_424, %get3A_425] {strides = array<i32>} : memref<128x64xf32, #tpu.memory_space<vmem>>, vector<16xf32>,
            %mul3A_427 = arith.mulf %get3A_423, %get3A_426 : vector<16xf32>
            %swap3A_428 = arith.index_cast %scan3A_399 : i32 to index
            %swap3A_429 = arith.constant 32 : index
            %swap3A_430 = tpu.vector_load %arg16[%swap3A_428, %swap3A_429] {strides = array<i32>} : memref<128x64xf32, #tpu.memory_space<vmem>>, vector<16xf32>,
            tpu.vector_store %arg16[%swap3A_428, %swap3A_429], %mul3A_427 {strides = array<i32>} : memref<128x64xf32, #tpu.memory_space<vmem>>, vector<16xf32>,
            %get3A_431 = arith.index_cast %scan3A_399 : i32 to index
            %get3A_432 = arith.constant 48 : index
            %get3A_433 = tpu.vector_load %arg16[%get3A_431, %get3A_432] {strides = array<i32>} : memref<128x64xf32, #tpu.memory_space<vmem>>, vector<16xf32>,
            %get3A_434 = arith.index_cast %scan3A_399 : i32 to index
            %get3A_435 = arith.constant 48 : index
            %get3A_436 = tpu.vector_load %arg15[%get3A_434, %get3A_435] {strides = array<i32>} : memref<128x64xf32, #tpu.memory_space<vmem>>, vector<16xf32>,
            %mul3A_437 = arith.mulf %get3A_433, %get3A_436 : vector<16xf32>
            %swap3A_438 = arith.index_cast %scan3A_399 : i32 to index
            %swap3A_439 = arith.constant 48 : index
            %swap3A_440 = tpu.vector_load %arg16[%swap3A_438, %swap3A_439] {strides = array<i32>} : memref<128x64xf32, #tpu.memory_space<vmem>>, vector<16xf32>,
            tpu.vector_store %arg16[%swap3A_438, %swap3A_439], %mul3A_437 {strides = array<i32>} : memref<128x64xf32, #tpu.memory_space<vmem>>, vector<16xf32>,
            %scan3A_441 = arith.constant 0 : i32
            scf.yield %scan3A_441 : i32
          }
          %scan3A_397 = arith.constant 128 : i32
          "tpu.region"() ({
            %run_scoped3A = tpu.sem_alloc : memref<!tpu.dma_semaphore, #tpu.memory_space<semaphore_mem>>
            %dma_start3A_399 = arith.constant 0 : i32
            %dma_start3A_400 = arith.constant 0 : i32
            %dma_start3A_401 = tpu.memref_slice %arg18[%dma_start3A_399, %dma_start3A_400] : memref<16384x64xf32, #tpu.memory_space<vmem_shared>> -> memref<16384x64xf32, #tpu.memory_space<vmem_shared>>
            tpu.enqueue_indirect_dma source(%arg16 : memref<128x64xf32, #tpu.memory_space<vmem>>) target(%dma_start3A_401 : memref<16384x64xf32, #tpu.memory_space<vmem_shared>>) offsets(%arg14 : memref<128xi32, #tpu.memory_space<vmem>>) semaphore(%run_scoped3A : memref<!tpu.dma_semaphore, #tpu.memory_space<semaphore_mem>>) {add = true}
            %dma_wait3A_402 = arith.constant 0 : i32
            %dma_wait3A_403 = arith.constant 0 : i32
            %dma_wait3A_404 = tpu.memref_slice %arg18[%dma_wait3A_402, %dma_wait3A_403] : memref<16384x64xf32, #tpu.memory_space<vmem_shared>> -> memref<16384x64xf32, #tpu.memory_space<vmem_shared>>
            tpu.wait_indirect_dma semaphore(%run_scoped3A : memref<!tpu.dma_semaphore, #tpu.memory_space<semaphore_mem>>) src(%arg16 : memref<128x64xf32, #tpu.memory_space<vmem>>) dst(%dma_wait3A_404 : memref<16384x64xf32, #tpu.memory_space<vmem_shared>>)
            tpu.yield
          }) : () -> ()
          %while3A_398 = arith.constant 0 : i32
          scf.yield %while3A_398 : i32
        }
        %while3A_249 = arith.constant 1 : i32
        %while3A_250 = scf.for %while3A_252 = %while3A_246 to %while3A_242 step %while3A_249 iter_args(%while3A_253 = %while3A_248) -> (i32)  : i32 {
          %mul3A_254 = arith.constant 128 : i32
          %mul3A_255 = arith.muli %while3A_252, %mul3A_254 : i32
          %add3A_256 = arith.constant 0 : i32
          %add3A_257 = arith.addi %mul3A_255, %add3A_256 : i32
          %get3A = arith.index_cast %add3A_257 : i32 to index
          %get3A_258 = tpu.vector_load %arg9[%get3A] {strides = array<i32>} : memref<8128xi32, #tpu.memory_space<vmem>>, vector<16xi32>,
          %swap3A_259 = arith.constant 0 : index
          %swap3A_260 = tpu.vector_load %arg12[%swap3A_259] {strides = array<i32>} : memref<128xi32, #tpu.memory_space<vmem>>, vector<16xi32>,
          tpu.vector_store %arg12[%swap3A_259], %get3A_258 {strides = array<i32>} : memref<128xi32, #tpu.memory_space<vmem>>, vector<16xi32>,
          %get3A_261 = arith.index_cast %add3A_257 : i32 to index
          %get3A_262 = tpu.vector_load %arg10[%get3A_261] {strides = array<i32>} : memref<8128xi32, #tpu.memory_space<vmem>>, vector<16xi32>,
          %swap3A_263 = arith.constant 0 : index
          %swap3A_264 = tpu.vector_load %arg13[%swap3A_263] {strides = array<i32>} : memref<128xi32, #tpu.memory_space<vmem>>, vector<16xi32>,
          tpu.vector_store %arg13[%swap3A_263], %get3A_262 {strides = array<i32>} : memref<128xi32, #tpu.memory_space<vmem>>, vector<16xi32>,
          %get3A_265 = arith.index_cast %add3A_257 : i32 to index
          %get3A_266 = tpu.vector_load %arg11[%get3A_265] {strides = array<i32>} : memref<8128xi32, #tpu.memory_space<vmem>>, vector<16xi32>,
          %swap3A_267 = arith.constant 0 : index
          %swap3A_268 = tpu.vector_load %arg14[%swap3A_267] {strides = array<i32>} : memref<128xi32, #tpu.memory_space<vmem>>, vector<16xi32>,
          tpu.vector_store %arg14[%swap3A_267], %get3A_266 {strides = array<i32>} : memref<128xi32, #tpu.memory_space<vmem>>, vector<16xi32>,
          %mul3A_269 = arith.constant 128 : i32
          %mul3A_270 = arith.muli %while3A_252, %mul3A_269 : i32
          %add3A_271 = arith.constant 16 : i32
          %add3A_272 = arith.addi %mul3A_270, %add3A_271 : i32
          %get3A_273 = arith.index_cast %add3A_272 : i32 to index
          %get3A_274 = tpu.vector_load %arg9[%get3A_273] {strides = array<i32>} : memref<8128xi32, #tpu.memory_space<vmem>>, vector<16xi32>,
          %swap3A_275 = arith.constant 16 : index
          %swap3A_276 = tpu.vector_load %arg12[%swap3A_275] {strides = array<i32>} : memref<128xi32, #tpu.memory_space<vmem>>, vector<16xi32>,
          tpu.vector_store %arg12[%swap3A_275], %get3A_274 {strides = array<i32>} : memref<128xi32, #tpu.memory_space<vmem>>, vector<16xi32>,
          %get3A_277 = arith.index_cast %add3A_272 : i32 to index
          %get3A_278 = tpu.vector_load %arg10[%get3A_277] {strides = array<i32>} : memref<8128xi32, #tpu.memory_space<vmem>>, vector<16xi32>,
          %swap3A_279 = arith.constant 16 : index
          %swap3A_280 = tpu.vector_load %arg13[%swap3A_279] {strides = array<i32>} : memref<128xi32, #tpu.memory_space<vmem>>, vector<16xi32>,
          tpu.vector_store %arg13[%swap3A_279], %get3A_278 {strides = array<i32>} : memref<128xi32, #tpu.memory_space<vmem>>, vector<16xi32>,
          %get3A_281 = arith.index_cast %add3A_272 : i32 to index
          %get3A_282 = tpu.vector_load %arg11[%get3A_281] {strides = array<i32>} : memref<8128xi32, #tpu.memory_space<vmem>>, vector<16xi32>,
          %swap3A_283 = arith.constant 16 : index
          %swap3A_284 = tpu.vector_load %arg14[%swap3A_283] {strides = array<i32>} : memref<128xi32, #tpu.memory_space<vmem>>, vector<16xi32>,
          tpu.vector_store %arg14[%swap3A_283], %get3A_282 {strides = array<i32>} : memref<128xi32, #tpu.memory_space<vmem>>, vector<16xi32>,
          %mul3A_285 = arith.constant 128 : i32
          %mul3A_286 = arith.muli %while3A_252, %mul3A_285 : i32
          %add3A_287 = arith.constant 32 : i32
          %add3A_288 = arith.addi %mul3A_286, %add3A_287 : i32
          %get3A_289 = arith.index_cast %add3A_288 : i32 to index
          %get3A_290 = tpu.vector_load %arg9[%get3A_289] {strides = array<i32>} : memref<8128xi32, #tpu.memory_space<vmem>>, vector<16xi32>,
          %swap3A_291 = arith.constant 32 : index
          %swap3A_292 = tpu.vector_load %arg12[%swap3A_291] {strides = array<i32>} : memref<128xi32, #tpu.memory_space<vmem>>, vector<16xi32>,
          tpu.vector_store %arg12[%swap3A_291], %get3A_290 {strides = array<i32>} : memref<128xi32, #tpu.memory_space<vmem>>, vector<16xi32>,
          %get3A_293 = arith.index_cast %add3A_288 : i32 to index
          %get3A_294 = tpu.vector_load %arg10[%get3A_293] {strides = array<i32>} : memref<8128xi32, #tpu.memory_space<vmem>>, vector<16xi32>,
          %swap3A_295 = arith.constant 32 : index
          %swap3A_296 = tpu.vector_load %arg13[%swap3A_295] {strides = array<i32>} : memref<128xi32, #tpu.memory_space<vmem>>, vector<16xi32>,
          tpu.vector_store %arg13[%swap3A_295], %get3A_294 {strides = array<i32>} : memref<128xi32, #tpu.memory_space<vmem>>, vector<16xi32>,
          %get3A_297 = arith.index_cast %add3A_288 : i32 to index
          %get3A_298 = tpu.vector_load %arg11[%get3A_297] {strides = array<i32>} : memref<8128xi32, #tpu.memory_space<vmem>>, vector<16xi32>,
          %swap3A_299 = arith.constant 32 : index
          %swap3A_300 = tpu.vector_load %arg14[%swap3A_299] {strides = array<i32>} : memref<128xi32, #tpu.memory_space<vmem>>, vector<16xi32>,
          tpu.vector_store %arg14[%swap3A_299], %get3A_298 {strides = array<i32>} : memref<128xi32, #tpu.memory_space<vmem>>, vector<16xi32>,
          %mul3A_301 = arith.constant 128 : i32
          %mul3A_302 = arith.muli %while3A_252, %mul3A_301 : i32
          %add3A_303 = arith.constant 48 : i32
          %add3A_304 = arith.addi %mul3A_302, %add3A_303 : i32
          %get3A_305 = arith.index_cast %add3A_304 : i32 to index
          %get3A_306 = tpu.vector_load %arg9[%get3A_305] {strides = array<i32>} : memref<8128xi32, #tpu.memory_space<vmem>>, vector<16xi32>,
          %swap3A_307 = arith.constant 48 : index
          %swap3A_308 = tpu.vector_load %arg12[%swap3A_307] {strides = array<i32>} : memref<128xi32, #tpu.memory_space<vmem>>, vector<16xi32>,
          tpu.vector_store %arg12[%swap3A_307], %get3A_306 {strides = array<i32>} : memref<128xi32, #tpu.memory_space<vmem>>, vector<16xi32>,
          %get3A_309 = arith.index_cast %add3A_304 : i32 to index
          %get3A_310 = tpu.vector_load %arg10[%get3A_309] {strides = array<i32>} : memref<8128xi32, #tpu.memory_space<vmem>>, vector<16xi32>,
          %swap3A_311 = arith.constant 48 : index
          %swap3A_312 = tpu.vector_load %arg13[%swap3A_311] {strides = array<i32>} : memref<128xi32, #tpu.memory_space<vmem>>, vector<16xi32>,
          tpu.vector_store %arg13[%swap3A_311], %get3A_310 {strides = array<i32>} : memref<128xi32, #tpu.memory_space<vmem>>, vector<16xi32>,
          %get3A_313 = arith.index_cast %add3A_304 : i32 to index
          %get3A_314 = tpu.vector_load %arg11[%get3A_313] {strides = array<i32>} : memref<8128xi32, #tpu.memory_space<vmem>>, vector<16xi32>,
          %swap3A_315 = arith.constant 48 : index
          %swap3A_316 = tpu.vector_load %arg14[%swap3A_315] {strides = array<i32>} : memref<128xi32, #tpu.memory_space<vmem>>, vector<16xi32>,
          tpu.vector_store %arg14[%swap3A_315], %get3A_314 {strides = array<i32>} : memref<128xi32, #tpu.memory_space<vmem>>, vector<16xi32>,
          %mul3A_317 = arith.constant 128 : i32
          %mul3A_318 = arith.muli %while3A_252, %mul3A_317 : i32
          %add3A_319 = arith.constant 64 : i32
          %add3A_320 = arith.addi %mul3A_318, %add3A_319 : i32
          %get3A_321 = arith.index_cast %add3A_320 : i32 to index
          %get3A_322 = tpu.vector_load %arg9[%get3A_321] {strides = array<i32>} : memref<8128xi32, #tpu.memory_space<vmem>>, vector<16xi32>,
          %swap3A_323 = arith.constant 64 : index
          %swap3A_324 = tpu.vector_load %arg12[%swap3A_323] {strides = array<i32>} : memref<128xi32, #tpu.memory_space<vmem>>, vector<16xi32>,
          tpu.vector_store %arg12[%swap3A_323], %get3A_322 {strides = array<i32>} : memref<128xi32, #tpu.memory_space<vmem>>, vector<16xi32>,
          %get3A_325 = arith.index_cast %add3A_320 : i32 to index
          %get3A_326 = tpu.vector_load %arg10[%get3A_325] {strides = array<i32>} : memref<8128xi32, #tpu.memory_space<vmem>>, vector<16xi32>,
          %swap3A_327 = arith.constant 64 : index
          %swap3A_328 = tpu.vector_load %arg13[%swap3A_327] {strides = array<i32>} : memref<128xi32, #tpu.memory_space<vmem>>, vector<16xi32>,
          tpu.vector_store %arg13[%swap3A_327], %get3A_326 {strides = array<i32>} : memref<128xi32, #tpu.memory_space<vmem>>, vector<16xi32>,
          %get3A_329 = arith.index_cast %add3A_320 : i32 to index
          %get3A_330 = tpu.vector_load %arg11[%get3A_329] {strides = array<i32>} : memref<8128xi32, #tpu.memory_space<vmem>>, vector<16xi32>,
          %swap3A_331 = arith.constant 64 : index
          %swap3A_332 = tpu.vector_load %arg14[%swap3A_331] {strides = array<i32>} : memref<128xi32, #tpu.memory_space<vmem>>, vector<16xi32>,
          tpu.vector_store %arg14[%swap3A_331], %get3A_330 {strides = array<i32>} : memref<128xi32, #tpu.memory_space<vmem>>, vector<16xi32>,
          %mul3A_333 = arith.constant 128 : i32
          %mul3A_334 = arith.muli %while3A_252, %mul3A_333 : i32
          %add3A_335 = arith.constant 80 : i32
          %add3A_336 = arith.addi %mul3A_334, %add3A_335 : i32
          %get3A_337 = arith.index_cast %add3A_336 : i32 to index
          %get3A_338 = tpu.vector_load %arg9[%get3A_337] {strides = array<i32>} : memref<8128xi32, #tpu.memory_space<vmem>>, vector<16xi32>,
          %swap3A_339 = arith.constant 80 : index
          %swap3A_340 = tpu.vector_load %arg12[%swap3A_339] {strides = array<i32>} : memref<128xi32, #tpu.memory_space<vmem>>, vector<16xi32>,
          tpu.vector_store %arg12[%swap3A_339], %get3A_338 {strides = array<i32>} : memref<128xi32, #tpu.memory_space<vmem>>, vector<16xi32>,
          %get3A_341 = arith.index_cast %add3A_336 : i32 to index
          %get3A_342 = tpu.vector_load %arg10[%get3A_341] {strides = array<i32>} : memref<8128xi32, #tpu.memory_space<vmem>>, vector<16xi32>,
          %swap3A_343 = arith.constant 80 : index
          %swap3A_344 = tpu.vector_load %arg13[%swap3A_343] {strides = array<i32>} : memref<128xi32, #tpu.memory_space<vmem>>, vector<16xi32>,
          tpu.vector_store %arg13[%swap3A_343], %get3A_342 {strides = array<i32>} : memref<128xi32, #tpu.memory_space<vmem>>, vector<16xi32>,
          %get3A_345 = arith.index_cast %add3A_336 : i32 to index
          %get3A_346 = tpu.vector_load %arg11[%get3A_345] {strides = array<i32>} : memref<8128xi32, #tpu.memory_space<vmem>>, vector<16xi32>,
          %swap3A_347 = arith.constant 80 : index
          %swap3A_348 = tpu.vector_load %arg14[%swap3A_347] {strides = array<i32>} : memref<128xi32, #tpu.memory_space<vmem>>, vector<16xi32>,
          tpu.vector_store %arg14[%swap3A_347], %get3A_346 {strides = array<i32>} : memref<128xi32, #tpu.memory_space<vmem>>, vector<16xi32>,
          %mul3A_349 = arith.constant 128 : i32
          %mul3A_350 = arith.muli %while3A_252, %mul3A_349 : i32
          %add3A_351 = arith.constant 96 : i32
          %add3A_352 = arith.addi %mul3A_350, %add3A_351 : i32
          %get3A_353 = arith.index_cast %add3A_352 : i32 to index
          %get3A_354 = tpu.vector_load %arg9[%get3A_353] {strides = array<i32>} : memref<8128xi32, #tpu.memory_space<vmem>>, vector<16xi32>,
          %swap3A_355 = arith.constant 96 : index
          %swap3A_356 = tpu.vector_load %arg12[%swap3A_355] {strides = array<i32>} : memref<128xi32, #tpu.memory_space<vmem>>, vector<16xi32>,
          tpu.vector_store %arg12[%swap3A_355], %get3A_354 {strides = array<i32>} : memref<128xi32, #tpu.memory_space<vmem>>, vector<16xi32>,
          %get3A_357 = arith.index_cast %add3A_352 : i32 to index
          %get3A_358 = tpu.vector_load %arg10[%get3A_357] {strides = array<i32>} : memref<8128xi32, #tpu.memory_space<vmem>>, vector<16xi32>,
          %swap3A_359 = arith.constant 96 : index
          %swap3A_360 = tpu.vector_load %arg13[%swap3A_359] {strides = array<i32>} : memref<128xi32, #tpu.memory_space<vmem>>, vector<16xi32>,
          tpu.vector_store %arg13[%swap3A_359], %get3A_358 {strides = array<i32>} : memref<128xi32, #tpu.memory_space<vmem>>, vector<16xi32>,
          %get3A_361 = arith.index_cast %add3A_352 : i32 to index
          %get3A_362 = tpu.vector_load %arg11[%get3A_361] {strides = array<i32>} : memref<8128xi32, #tpu.memory_space<vmem>>, vector<16xi32>,
          %swap3A_363 = arith.constant 96 : index
          %swap3A_364 = tpu.vector_load %arg14[%swap3A_363] {strides = array<i32>} : memref<128xi32, #tpu.memory_space<vmem>>, vector<16xi32>,
          tpu.vector_store %arg14[%swap3A_363], %get3A_362 {strides = array<i32>} : memref<128xi32, #tpu.memory_space<vmem>>, vector<16xi32>,
          %mul3A_365 = arith.constant 128 : i32
          %mul3A_366 = arith.muli %while3A_252, %mul3A_365 : i32
          %add3A_367 = arith.constant 112 : i32
          %add3A_368 = arith.addi %mul3A_366, %add3A_367 : i32
          %get3A_369 = arith.index_cast %add3A_368 : i32 to index
          %get3A_370 = tpu.vector_load %arg9[%get3A_369] {strides = array<i32>} : memref<8128xi32, #tpu.memory_space<vmem>>, vector<16xi32>,
          %swap3A_371 = arith.constant 112 : index
          %swap3A_372 = tpu.vector_load %arg12[%swap3A_371] {strides = array<i32>} : memref<128xi32, #tpu.memory_space<vmem>>, vector<16xi32>,
          tpu.vector_store %arg12[%swap3A_371], %get3A_370 {strides = array<i32>} : memref<128xi32, #tpu.memory_space<vmem>>, vector<16xi32>,
          %get3A_373 = arith.index_cast %add3A_368 : i32 to index
          %get3A_374 = tpu.vector_load %arg10[%get3A_373] {strides = array<i32>} : memref<8128xi32, #tpu.memory_space<vmem>>, vector<16xi32>,
          %swap3A_375 = arith.constant 112 : index
          %swap3A_376 = tpu.vector_load %arg13[%swap3A_375] {strides = array<i32>} : memref<128xi32, #tpu.memory_space<vmem>>, vector<16xi32>,
          tpu.vector_store %arg13[%swap3A_375], %get3A_374 {strides = array<i32>} : memref<128xi32, #tpu.memory_space<vmem>>, vector<16xi32>,
          %get3A_377 = arith.index_cast %add3A_368 : i32 to index
          %get3A_378 = tpu.vector_load %arg11[%get3A_377] {strides = array<i32>} : memref<8128xi32, #tpu.memory_space<vmem>>, vector<16xi32>,
          %swap3A_379 = arith.constant 112 : index
          %swap3A_380 = tpu.vector_load %arg14[%swap3A_379] {strides = array<i32>} : memref<128xi32, #tpu.memory_space<vmem>>, vector<16xi32>,
          tpu.vector_store %arg14[%swap3A_379], %get3A_378 {strides = array<i32>} : memref<128xi32, #tpu.memory_space<vmem>>, vector<16xi32>,
          %dma_start3A = arith.constant 0 : i32
          %dma_start3A_381 = arith.constant 0 : i32
          %dma_start3A_382 = tpu.memref_slice %arg3[%dma_start3A, %dma_start3A_381] : memref<640000x64xf32, #tpu.memory_space<hbm>> -> memref<640000x64xf32, #tpu.memory_space<hbm>>
          tpu.enqueue_indirect_dma source(%dma_start3A_382 : memref<640000x64xf32, #tpu.memory_space<hbm>>) target(%arg15 : memref<128x64xf32, #tpu.memory_space<vmem>>) offsets(%arg12 : memref<128xi32, #tpu.memory_space<vmem>>) semaphore(%arg19 : memref<!tpu.dma_semaphore, #tpu.memory_space<semaphore_mem>>)
          %dma_start3A_383 = arith.constant 0 : i32
          %dma_start3A_384 = arith.constant 0 : i32
          %dma_start3A_385 = tpu.memref_slice %arg2[%dma_start3A_383, %dma_start3A_384] : memref<320000x64xf32, #tpu.memory_space<hbm>> -> memref<320000x64xf32, #tpu.memory_space<hbm>>
          tpu.enqueue_indirect_dma source(%dma_start3A_385 : memref<320000x64xf32, #tpu.memory_space<hbm>>) target(%arg16 : memref<128x64xf32, #tpu.memory_space<vmem>>) offsets(%arg13 : memref<128xi32, #tpu.memory_space<vmem>>) semaphore(%arg20 : memref<!tpu.dma_semaphore, #tpu.memory_space<semaphore_mem>>)
          %dma_wait3A = arith.constant 0 : i32
          %dma_wait3A_386 = arith.constant 0 : i32
          %dma_wait3A_387 = tpu.memref_slice %arg3[%dma_wait3A, %dma_wait3A_386] : memref<640000x64xf32, #tpu.memory_space<hbm>> -> memref<640000x64xf32, #tpu.memory_space<hbm>>
          tpu.wait_indirect_dma semaphore(%arg19 : memref<!tpu.dma_semaphore, #tpu.memory_space<semaphore_mem>>) src(%dma_wait3A_387 : memref<640000x64xf32, #tpu.memory_space<hbm>>) dst(%arg15 : memref<128x64xf32, #tpu.memory_space<vmem>>)
          %dma_wait3A_388 = arith.constant 0 : i32
          %dma_wait3A_389 = arith.constant 0 : i32
          %dma_wait3A_390 = tpu.memref_slice %arg2[%dma_wait3A_388, %dma_wait3A_389] : memref<320000x64xf32, #tpu.memory_space<hbm>> -> memref<320000x64xf32, #tpu.memory_space<hbm>>
          tpu.wait_indirect_dma semaphore(%arg20 : memref<!tpu.dma_semaphore, #tpu.memory_space<semaphore_mem>>) src(%dma_wait3A_390 : memref<320000x64xf32, #tpu.memory_space<hbm>>) dst(%arg16 : memref<128x64xf32, #tpu.memory_space<vmem>>)
          %scan3A_391 = arith.constant 0 : i32
          %scan3A_392 = arith.constant 0 : i32
          %scan3A_393 = arith.constant 128 : i32
          %scan3A_394 = arith.addi %scan3A_392, %scan3A_393 : i32
          %scan3A_395 = arith.constant 1 : i32
          %scan3A_396 = scf.for %scan3A_399 = %scan3A_392 to %scan3A_394 step %scan3A_395 iter_args(%scan3A_400 = %scan3A_391) -> (i32)  : i32 {
            %get3A_401 = arith.index_cast %scan3A_399 : i32 to index
            %get3A_402 = arith.constant 0 : index
            %get3A_403 = tpu.vector_load %arg16[%get3A_401, %get3A_402] {strides = array<i32>} : memref<128x64xf32, #tpu.memory_space<vmem>>, vector<16xf32>,
            %get3A_404 = arith.index_cast %scan3A_399 : i32 to index
            %get3A_405 = arith.constant 0 : index
            %get3A_406 = tpu.vector_load %arg15[%get3A_404, %get3A_405] {strides = array<i32>} : memref<128x64xf32, #tpu.memory_space<vmem>>, vector<16xf32>,
            %mul3A_407 = arith.mulf %get3A_403, %get3A_406 : vector<16xf32>
            %swap3A_408 = arith.index_cast %scan3A_399 : i32 to index
            %swap3A_409 = arith.constant 0 : index
            %swap3A_410 = tpu.vector_load %arg16[%swap3A_408, %swap3A_409] {strides = array<i32>} : memref<128x64xf32, #tpu.memory_space<vmem>>, vector<16xf32>,
            tpu.vector_store %arg16[%swap3A_408, %swap3A_409], %mul3A_407 {strides = array<i32>} : memref<128x64xf32, #tpu.memory_space<vmem>>, vector<16xf32>,
            %get3A_411 = arith.index_cast %scan3A_399 : i32 to index
            %get3A_412 = arith.constant 16 : index
            %get3A_413 = tpu.vector_load %arg16[%get3A_411, %get3A_412] {strides = array<i32>} : memref<128x64xf32, #tpu.memory_space<vmem>>, vector<16xf32>,
            %get3A_414 = arith.index_cast %scan3A_399 : i32 to index
            %get3A_415 = arith.constant 16 : index
            %get3A_416 = tpu.vector_load %arg15[%get3A_414, %get3A_415] {strides = array<i32>} : memref<128x64xf32, #tpu.memory_space<vmem>>, vector<16xf32>,
            %mul3A_417 = arith.mulf %get3A_413, %get3A_416 : vector<16xf32>
            %swap3A_418 = arith.index_cast %scan3A_399 : i32 to index
            %swap3A_419 = arith.constant 16 : index
            %swap3A_420 = tpu.vector_load %arg16[%swap3A_418, %swap3A_419] {strides = array<i32>} : memref<128x64xf32, #tpu.memory_space<vmem>>, vector<16xf32>,
            tpu.vector_store %arg16[%swap3A_418, %swap3A_419], %mul3A_417 {strides = array<i32>} : memref<128x64xf32, #tpu.memory_space<vmem>>, vector<16xf32>,
            %get3A_421 = arith.index_cast %scan3A_399 : i32 to index
            %get3A_422 = arith.constant 32 : index
            %get3A_423 = tpu.vector_load %arg16[%get3A_421, %get3A_422] {strides = array<i32>} : memref<128x64xf32, #tpu.memory_space<vmem>>, vector<16xf32>,
            %get3A_424 = arith.index_cast %scan3A_399 : i32 to index
            %get3A_425 = arith.constant 32 : index
            %get3A_426 = tpu.vector_load %arg15[%get3A_424, %get3A_425] {strides = array<i32>} : memref<128x64xf32, #tpu.memory_space<vmem>>, vector<16xf32>,
            %mul3A_427 = arith.mulf %get3A_423, %get3A_426 : vector<16xf32>
            %swap3A_428 = arith.index_cast %scan3A_399 : i32 to index
            %swap3A_429 = arith.constant 32 : index
            %swap3A_430 = tpu.vector_load %arg16[%swap3A_428, %swap3A_429] {strides = array<i32>} : memref<128x64xf32, #tpu.memory_space<vmem>>, vector<16xf32>,
            tpu.vector_store %arg16[%swap3A_428, %swap3A_429], %mul3A_427 {strides = array<i32>} : memref<128x64xf32, #tpu.memory_space<vmem>>, vector<16xf32>,
            %get3A_431 = arith.index_cast %scan3A_399 : i32 to index
            %get3A_432 = arith.constant 48 : index
            %get3A_433 = tpu.vector_load %arg16[%get3A_431, %get3A_432] {strides = array<i32>} : memref<128x64xf32, #tpu.memory_space<vmem>>, vector<16xf32>,
            %get3A_434 = arith.index_cast %scan3A_399 : i32 to index
            %get3A_435 = arith.constant 48 : index
            %get3A_436 = tpu.vector_load %arg15[%get3A_434, %get3A_435] {strides = array<i32>} : memref<128x64xf32, #tpu.memory_space<vmem>>, vector<16xf32>,
            %mul3A_437 = arith.mulf %get3A_433, %get3A_436 : vector<16xf32>
            %swap3A_438 = arith.index_cast %scan3A_399 : i32 to index
            %swap3A_439 = arith.constant 48 : index
            %swap3A_440 = tpu.vector_load %arg16[%swap3A_438, %swap3A_439] {strides = array<i32>} : memref<128x64xf32, #tpu.memory_space<vmem>>, vector<16xf32>,
            tpu.vector_store %arg16[%swap3A_438, %swap3A_439], %mul3A_437 {strides = array<i32>} : memref<128x64xf32, #tpu.memory_space<vmem>>, vector<16xf32>,
            %scan3A_441 = arith.constant 0 : i32
            scf.yield %scan3A_441 : i32
          }
          %scan3A_397 = arith.constant 128 : i32
          "tpu.region"() ({
            %run_scoped3A = tpu.sem_alloc : memref<!tpu.dma_semaphore, #tpu.memory_space<semaphore_mem>>
            %dma_start3A_399 = arith.constant 0 : i32
            %dma_start3A_400 = arith.constant 0 : i32
            %dma_start3A_401 = tpu.memref_slice %arg18[%dma_start3A_399, %dma_start3A_400] : memref<16384x64xf32, #tpu.memory_space<vmem_shared>> -> memref<16384x64xf32, #tpu.memory_space<vmem_shared>>
            tpu.enqueue_indirect_dma source(%arg16 : memref<128x64xf32, #tpu.memory_space<vmem>>) target(%dma_start3A_401 : memref<16384x64xf32, #tpu.memory_space<vmem_shared>>) offsets(%arg14 : memref<128xi32, #tpu.memory_space<vmem>>) semaphore(%run_scoped3A : memref<!tpu.dma_semaphore, #tpu.memory_space<semaphore_mem>>) {add = true}
            %dma_wait3A_402 = arith.constant 0 : i32
            %dma_wait3A_403 = arith.constant 0 : i32
            %dma_wait3A_404 = tpu.memref_slice %arg18[%dma_wait3A_402, %dma_wait3A_403] : memref<16384x64xf32, #tpu.memory_space<vmem_shared>> -> memref<16384x64xf32, #tpu.memory_space<vmem_shared>>
            tpu.wait_indirect_dma semaphore(%run_scoped3A : memref<!tpu.dma_semaphore, #tpu.memory_space<semaphore_mem>>) src(%arg16 : memref<128x64xf32, #tpu.memory_space<vmem>>) dst(%dma_wait3A_404 : memref<16384x64xf32, #tpu.memory_space<vmem_shared>>)
            tpu.yield
          }) : () -> ()
          %while3A_398 = arith.constant 0 : i32
          scf.yield %while3A_398 : i32
        }
        %scan3A_251 = arith.constant 0 : i32
        scf.yield %scan3A_251 : i32
      }
      %scan3A_32 = arith.constant 5 : i32
      %barrier3A_33 = arith.constant 0 : index
      tpu.barrier barrier_id(%barrier3A_33)
      %mul3A_34 = arith.constant 1000 : i32
      %mul3A_35 = arith.muli %arg1, %mul3A_34 : i32
      %mul3A_36 = arith.constant 1000 : i32
      %mul3A_37 = arith.muli %arg1, %mul3A_36 : i32
      %add3A_38 = arith.addi %mul3A_18, %mul3A_37 : i32
      "tpu.region"() ({
        %run_scoped3A = tpu.sem_alloc : memref<!tpu.dma_semaphore, #tpu.memory_space<semaphore_mem>>
        %dma_start3A = arith.constant 0 : i32
        %dma_start3A_41 = tpu.memref_slice %arg6[%add3A_38, %dma_start3A] : memref<320000x64xf32, #tpu.memory_space<hbm>> -> memref<1000x64xf32, #tpu.memory_space<hbm>>
        %dma_start3A_42 = arith.constant 0 : i32
        %dma_start3A_43 = tpu.memref_slice %arg18[%mul3A_35, %dma_start3A_42] : memref<16384x64xf32, #tpu.memory_space<vmem_shared>> -> memref<1000x64xf32, #tpu.memory_space<vmem_shared>>
        tpu.enqueue_dma source(%dma_start3A_43 : memref<1000x64xf32, #tpu.memory_space<vmem_shared>>) target(%dma_start3A_41 : memref<1000x64xf32, #tpu.memory_space<hbm>>) target_semaphore(%run_scoped3A : memref<!tpu.dma_semaphore, #tpu.memory_space<semaphore_mem>>)
        %dma_wait3A = arith.constant 0 : i32
        %dma_wait3A_44 = tpu.memref_slice %arg6[%add3A_38, %dma_wait3A] : memref<320000x64xf32, #tpu.memory_space<hbm>> -> memref<1000x64xf32, #tpu.memory_space<hbm>>
        %dma_wait3A_45 = arith.constant 0 : i32
        %dma_wait3A_46 = tpu.memref_slice %arg18[%mul3A_35, %dma_wait3A_45] : memref<16384x64xf32, #tpu.memory_space<vmem_shared>> -> memref<1000x64xf32, #tpu.memory_space<vmem_shared>>
        tpu.wait_dma2 semaphore(%run_scoped3A : memref<!tpu.dma_semaphore, #tpu.memory_space<semaphore_mem>>) src(%dma_wait3A_46 : memref<1000x64xf32, #tpu.memory_space<vmem_shared>>) dst(%dma_wait3A_44 : memref<1000x64xf32, #tpu.memory_space<hbm>>)
        tpu.yield
      }) : () -> ()
      %barrier3A_39 = arith.constant 0 : index
      tpu.barrier barrier_id(%barrier3A_39)
      %scan3A_40 = arith.constant 0 : i32
      scf.yield %scan3A_40 : i32
    }
    %scan3A_13 = arith.constant 10 : i32
    return
  }
}

module attributes {stable_mosaic.version = 14 : i64} {
  func.func @_tc_a_body(%arg0: i32, %arg1: memref<1280x128xf32, #tpu.memory_space<vmem>>, %arg2: memref<1280x16xf32, #tpu.memory_space<vmem>>, %arg3: memref<16x128xf32, #tpu.memory_space<vmem>>, %arg4: memref<128x128xf32, #tpu.memory_space<vmem>>, %arg5: memref<1x128xf32, #tpu.memory_space<vmem>>, %arg6: memref<128x128xf32, #tpu.memory_space<vmem>>, %arg7: memref<1x128xf32, #tpu.memory_space<vmem>>, %arg8: memref<128x64xf32, #tpu.memory_space<vmem>>, %arg9: memref<1280x128xf32, #tpu.memory_space<vmem>>, %arg10: memref<1280x64xf32, #tpu.memory_space<vmem>>) attributes {dimension_semantics = [#tpu.dimension_semantics<arbitrary>], iteration_bounds = array<i64: 250>, scalar_prefetch = 0 : i64, scratch_operands = 0 : i64, tpu.core_type = #tpu.core_type<tc>, window_params = [{transform_indices = @transform_0, window_bounds = array<i64: 1280, 128>}, {transform_indices = @transform_1, window_bounds = array<i64: 1280, 16>}, {pipeline_mode = #tpu.pipeline_mode<synchronous>, transform_indices = @transform_2, window_bounds = array<i64: 16, 128>}, {pipeline_mode = #tpu.pipeline_mode<synchronous>, transform_indices = @transform_3, window_bounds = array<i64: 128, 128>}, {pipeline_mode = #tpu.pipeline_mode<synchronous>, transform_indices = @transform_4, window_bounds = array<i64: 1, 128>}, {pipeline_mode = #tpu.pipeline_mode<synchronous>, transform_indices = @transform_5, window_bounds = array<i64: 128, 128>}, {pipeline_mode = #tpu.pipeline_mode<synchronous>, transform_indices = @transform_6, window_bounds = array<i64: 1, 128>}, {pipeline_mode = #tpu.pipeline_mode<synchronous>, transform_indices = @transform_7, window_bounds = array<i64: 128, 64>}, {transform_indices = @transform_8, window_bounds = array<i64: 1280, 128>}, {transform_indices = @transform_9, window_bounds = array<i64: 1280, 64>}]} {
    %get3A = arith.constant 0 : index
    %get3A_0 = arith.constant 0 : index
    %get3A_1 = vector.load %arg1[%get3A, %get3A_0] : memref<1280x128xf32, #tpu.memory_space<vmem>>, vector<1280x128xf32>
    %get3A_2 = arith.constant 0 : index
    %get3A_3 = arith.constant 0 : index
    %get3A_4 = vector.load %arg2[%get3A_2, %get3A_3] : memref<1280x16xf32, #tpu.memory_space<vmem>>, vector<1280x16xf32>
    %get3A_5 = arith.constant 0 : index
    %get3A_6 = arith.constant 0 : index
    %get3A_7 = vector.load %arg3[%get3A_5, %get3A_6] : memref<16x128xf32, #tpu.memory_space<vmem>>, vector<16x128xf32>
    %dot_general3A = arith.constant dense<0.000000e+00> : vector<1280x128xf32>
    %dot_general3A_8 = tpu.matmul %get3A_4, %get3A_7, %dot_general3A {dimension_numbers = #tpu.dot_dimension_numbers<[1], [0], [0], [1], [0, 0, 1, 1], [], []>, transpose_lhs_hint = false} : vector<1280x16xf32>, vector<16x128xf32>, vector<1280x128xf32> -> vector<1280x128xf32>
    %neg3A = arith.constant 0.000000e+00 : f32
    %neg3A_9 = vector.broadcast %neg3A : f32 to vector<1280x128xf32>
    %neg3A_10 = arith.subf %neg3A_9, %dot_general3A_8 : vector<1280x128xf32>
    %exp3A = math.exp %neg3A_10 : vector<1280x128xf32>
    %add3A = arith.constant 1.000000e+00 : f32
    %add3A_11 = vector.broadcast %add3A : f32 to vector<1280x128xf32>
    %add3A_12 = arith.addf %add3A_11, %exp3A : vector<1280x128xf32>
    %div3A = arith.divf %dot_general3A_8, %add3A_12 : vector<1280x128xf32>
    %get3A_13 = arith.constant 0 : index
    %get3A_14 = arith.constant 0 : index
    %get3A_15 = vector.load %arg4[%get3A_13, %get3A_14] : memref<128x128xf32, #tpu.memory_space<vmem>>, vector<128x128xf32>
    %dot_general3A_16 = arith.constant dense<0.000000e+00> : vector<1280x128xf32>
    %dot_general3A_17 = tpu.matmul %get3A_1, %get3A_15, %dot_general3A_16 {dimension_numbers = #tpu.dot_dimension_numbers<[1], [0], [0], [1], [0, 0, 1, 1], [], []>, transpose_lhs_hint = false} : vector<1280x128xf32>, vector<128x128xf32>, vector<1280x128xf32> -> vector<1280x128xf32>
    %get3A_18 = arith.constant 0 : index
    %get3A_19 = arith.constant 0 : index
    %get3A_20 = vector.load %arg5[%get3A_18, %get3A_19] : memref<1x128xf32, #tpu.memory_space<vmem>>, vector<1x128xf32>
    %add3A_21 = vector.broadcast %get3A_20 : vector<1x128xf32> to vector<1280x128xf32>
    %add3A_22 = arith.addf %dot_general3A_17, %add3A_21 : vector<1280x128xf32>
    %neg3A_23 = arith.constant 0.000000e+00 : f32
    %neg3A_24 = vector.broadcast %neg3A_23 : f32 to vector<1280x128xf32>
    %neg3A_25 = arith.subf %neg3A_24, %add3A_22 : vector<1280x128xf32>
    %exp3A_26 = math.exp %neg3A_25 : vector<1280x128xf32>
    %add3A_27 = arith.constant 1.000000e+00 : f32
    %add3A_28 = vector.broadcast %add3A_27 : f32 to vector<1280x128xf32>
    %add3A_29 = arith.addf %add3A_28, %exp3A_26 : vector<1280x128xf32>
    %div3A_30 = arith.divf %add3A_22, %add3A_29 : vector<1280x128xf32>
    %get3A_31 = arith.constant 0 : index
    %get3A_32 = arith.constant 0 : index
    %get3A_33 = vector.load %arg6[%get3A_31, %get3A_32] : memref<128x128xf32, #tpu.memory_space<vmem>>, vector<128x128xf32>
    %dot_general3A_34 = arith.constant dense<0.000000e+00> : vector<1280x128xf32>
    %dot_general3A_35 = tpu.matmul %get3A_1, %get3A_33, %dot_general3A_34 {dimension_numbers = #tpu.dot_dimension_numbers<[1], [0], [0], [1], [0, 0, 1, 1], [], []>, transpose_lhs_hint = false} : vector<1280x128xf32>, vector<128x128xf32>, vector<1280x128xf32> -> vector<1280x128xf32>
    %get3A_36 = arith.constant 0 : index
    %get3A_37 = arith.constant 0 : index
    %get3A_38 = vector.load %arg7[%get3A_36, %get3A_37] : memref<1x128xf32, #tpu.memory_space<vmem>>, vector<1x128xf32>
    %add3A_39 = vector.broadcast %get3A_38 : vector<1x128xf32> to vector<1280x128xf32>
    %add3A_40 = arith.addf %dot_general3A_35, %add3A_39 : vector<1280x128xf32>
    %neg3A_41 = arith.constant 0.000000e+00 : f32
    %neg3A_42 = vector.broadcast %neg3A_41 : f32 to vector<1280x128xf32>
    %neg3A_43 = arith.subf %neg3A_42, %add3A_40 : vector<1280x128xf32>
    %exp3A_44 = math.exp %neg3A_43 : vector<1280x128xf32>
    %add3A_45 = arith.constant 1.000000e+00 : f32
    %add3A_46 = vector.broadcast %add3A_45 : f32 to vector<1280x128xf32>
    %add3A_47 = arith.addf %add3A_46, %exp3A_44 : vector<1280x128xf32>
    %div3A_48 = arith.divf %add3A_40, %add3A_47 : vector<1280x128xf32>
    %mul3A = arith.mulf %div3A_48, %div3A : vector<1280x128xf32>
    %get3A_49 = arith.constant 0 : index
    %get3A_50 = arith.constant 0 : index
    %get3A_51 = vector.load %arg8[%get3A_49, %get3A_50] : memref<128x64xf32, #tpu.memory_space<vmem>>, vector<128x64xf32>
    %dot_general3A_52 = arith.constant dense<0.000000e+00> : vector<1280x64xf32>
    %dot_general3A_53 = tpu.matmul %mul3A, %get3A_51, %dot_general3A_52 {dimension_numbers = #tpu.dot_dimension_numbers<[1], [0], [0], [1], [0, 0, 1, 1], [], []>, transpose_lhs_hint = false} : vector<1280x128xf32>, vector<128x64xf32>, vector<1280x64xf32> -> vector<1280x64xf32>
    %neg3A_54 = arith.constant 0.000000e+00 : f32
    %neg3A_55 = vector.broadcast %neg3A_54 : f32 to vector<1280x64xf32>
    %neg3A_56 = arith.subf %neg3A_55, %dot_general3A_53 : vector<1280x64xf32>
    %exp3A_57 = math.exp %neg3A_56 : vector<1280x64xf32>
    %add3A_58 = arith.constant 1.000000e+00 : f32
    %add3A_59 = vector.broadcast %add3A_58 : f32 to vector<1280x64xf32>
    %add3A_60 = arith.addf %add3A_59, %exp3A_57 : vector<1280x64xf32>
    %div3A_61 = arith.divf %dot_general3A_53, %add3A_60 : vector<1280x64xf32>
    %swap3A = arith.constant 0 : index
    %swap3A_62 = arith.constant 0 : index
    %swap3A_63 = vector.load %arg10[%swap3A, %swap3A_62] : memref<1280x64xf32, #tpu.memory_space<vmem>>, vector<1280x64xf32>
    tpu.vector_store %arg10[%swap3A, %swap3A_62], %div3A_61 {strides = array<i32>} : memref<1280x64xf32, #tpu.memory_space<vmem>>, vector<1280x64xf32>,
    %swap3A_64 = arith.constant 0 : index
    %swap3A_65 = arith.constant 0 : index
    %swap3A_66 = vector.load %arg9[%swap3A_64, %swap3A_65] : memref<1280x128xf32, #tpu.memory_space<vmem>>, vector<1280x128xf32>
    tpu.vector_store %arg9[%swap3A_64, %swap3A_65], %div3A_30 {strides = array<i32>} : memref<1280x128xf32, #tpu.memory_space<vmem>>, vector<1280x128xf32>,
    return
  }
  func.func @transform_0(%arg0: i32) -> (i32, i32) {
    %c0_i32 = arith.constant 0 : i32
    %c0_i32_0 = arith.constant 0 : i32
    return %arg0, %c0_i32 : i32, i32
  }
  func.func @transform_1(%arg0: i32) -> (i32, i32) {
    %c0_i32 = arith.constant 0 : i32
    %c0_i32_0 = arith.constant 0 : i32
    return %arg0, %c0_i32 : i32, i32
  }
  func.func @transform_2(%arg0: i32) -> (i32, i32) {
    %c0_i32 = arith.constant 0 : i32
    %c0_i32_0 = arith.constant 0 : i32
    %c0_i32_1 = arith.constant 0 : i32
    return %c0_i32, %c0_i32_0 : i32, i32
  }
  func.func @transform_3(%arg0: i32) -> (i32, i32) {
    %c0_i32 = arith.constant 0 : i32
    %c0_i32_0 = arith.constant 0 : i32
    %c0_i32_1 = arith.constant 0 : i32
    return %c0_i32, %c0_i32_0 : i32, i32
  }
  func.func @transform_4(%arg0: i32) -> (i32, i32) {
    %c0_i32 = arith.constant 0 : i32
    %c0_i32_0 = arith.constant 0 : i32
    %c0_i32_1 = arith.constant 0 : i32
    return %c0_i32, %c0_i32_0 : i32, i32
  }
  func.func @transform_5(%arg0: i32) -> (i32, i32) {
    %c0_i32 = arith.constant 0 : i32
    %c0_i32_0 = arith.constant 0 : i32
    %c0_i32_1 = arith.constant 0 : i32
    return %c0_i32, %c0_i32_0 : i32, i32
  }
  func.func @transform_6(%arg0: i32) -> (i32, i32) {
    %c0_i32 = arith.constant 0 : i32
    %c0_i32_0 = arith.constant 0 : i32
    %c0_i32_1 = arith.constant 0 : i32
    return %c0_i32, %c0_i32_0 : i32, i32
  }
  func.func @transform_7(%arg0: i32) -> (i32, i32) {
    %c0_i32 = arith.constant 0 : i32
    %c0_i32_0 = arith.constant 0 : i32
    %c0_i32_1 = arith.constant 0 : i32
    return %c0_i32, %c0_i32_0 : i32, i32
  }
  func.func @transform_8(%arg0: i32) -> (i32, i32) {
    %c0_i32 = arith.constant 0 : i32
    %c0_i32_0 = arith.constant 0 : i32
    return %arg0, %c0_i32 : i32, i32
  }
  func.func @transform_9(%arg0: i32) -> (i32, i32) {
    %c0_i32 = arith.constant 0 : i32
    %c0_i32_0 = arith.constant 0 : i32
    return %arg0, %c0_i32 : i32, i32
  }
}

module attributes {stable_mosaic.version = 14 : i64} {
  func.func @_tc_b_body(%arg0: i32, %arg1: memref<2560x64xf32, #tpu.memory_space<vmem>>, %arg2: memref<64x64xf32, #tpu.memory_space<vmem>>, %arg3: memref<2560x64xf32, #tpu.memory_space<vmem>>) attributes {dimension_semantics = [#tpu.dimension_semantics<arbitrary>], iteration_bounds = array<i64: 250>, scalar_prefetch = 0 : i64, scratch_operands = 0 : i64, tpu.core_type = #tpu.core_type<tc>, window_params = [{transform_indices = @transform_0, window_bounds = array<i64: 2560, 64>}, {pipeline_mode = #tpu.pipeline_mode<synchronous>, transform_indices = @transform_1, window_bounds = array<i64: 64, 64>}, {transform_indices = @transform_2, window_bounds = array<i64: 2560, 64>}]} {
    %get3A = arith.constant 0 : index
    %get3A_0 = arith.constant 0 : index
    %get3A_1 = vector.load %arg1[%get3A, %get3A_0] : memref<2560x64xf32, #tpu.memory_space<vmem>>, vector<2560x64xf32>
    %get3A_2 = arith.constant 0 : index
    %get3A_3 = arith.constant 0 : index
    %get3A_4 = vector.load %arg2[%get3A_2, %get3A_3] : memref<64x64xf32, #tpu.memory_space<vmem>>, vector<64x64xf32>
    %dot_general3A = arith.constant dense<0.000000e+00> : vector<2560x64xf32>
    %dot_general3A_5 = tpu.matmul %get3A_1, %get3A_4, %dot_general3A {dimension_numbers = #tpu.dot_dimension_numbers<[1], [0], [0], [1], [0, 0, 1, 1], [], []>, transpose_lhs_hint = false} : vector<2560x64xf32>, vector<64x64xf32>, vector<2560x64xf32> -> vector<2560x64xf32>
    %neg3A = arith.constant 0.000000e+00 : f32
    %neg3A_6 = vector.broadcast %neg3A : f32 to vector<2560x64xf32>
    %neg3A_7 = arith.subf %neg3A_6, %dot_general3A_5 : vector<2560x64xf32>
    %exp3A = math.exp %neg3A_7 : vector<2560x64xf32>
    %add3A = arith.constant 1.000000e+00 : f32
    %add3A_8 = vector.broadcast %add3A : f32 to vector<2560x64xf32>
    %add3A_9 = arith.addf %add3A_8, %exp3A : vector<2560x64xf32>
    %div3A = arith.divf %dot_general3A_5, %add3A_9 : vector<2560x64xf32>
    %swap3A = arith.constant 0 : index
    %swap3A_10 = arith.constant 0 : index
    %swap3A_11 = vector.load %arg3[%swap3A, %swap3A_10] : memref<2560x64xf32, #tpu.memory_space<vmem>>, vector<2560x64xf32>
    tpu.vector_store %arg3[%swap3A, %swap3A_10], %div3A {strides = array<i32>} : memref<2560x64xf32, #tpu.memory_space<vmem>>, vector<2560x64xf32>,
    return
  }
  func.func @transform_0(%arg0: i32) -> (i32, i32) {
    %c0_i32 = arith.constant 0 : i32
    %c0_i32_0 = arith.constant 0 : i32
    return %arg0, %c0_i32 : i32, i32
  }
  func.func @transform_1(%arg0: i32) -> (i32, i32) {
    %c0_i32 = arith.constant 0 : i32
    %c0_i32_0 = arith.constant 0 : i32
    %c0_i32_1 = arith.constant 0 : i32
    return %c0_i32, %c0_i32_0 : i32, i32
  }
  func.func @transform_2(%arg0: i32) -> (i32, i32) {
    %c0_i32 = arith.constant 0 : i32
    %c0_i32_0 = arith.constant 0 : i32
    return %arg0, %c0_i32 : i32, i32
  }
}

module attributes {stable_mosaic.version = 14 : i64} {
  func.func @_tc_c_body(%arg0: i32, %arg1: memref<1280x64xf32, #tpu.memory_space<vmem>>, %arg2: memref<1280x128xf32, #tpu.memory_space<vmem>>, %arg3: memref<1280x128xf32, #tpu.memory_space<vmem>>, %arg4: memref<64x128xf32, #tpu.memory_space<vmem>>, %arg5: memref<128x128xf32, #tpu.memory_space<vmem>>, %arg6: memref<1x128xf32, #tpu.memory_space<vmem>>, %arg7: memref<128x128xf32, #tpu.memory_space<vmem>>, %arg8: memref<1x128xf32, #tpu.memory_space<vmem>>, %arg9: memref<128x128xf32, #tpu.memory_space<vmem>>, %arg10: memref<1x128xf32, #tpu.memory_space<vmem>>, %arg11: memref<128x128xf32, #tpu.memory_space<vmem>>, %arg12: memref<1x128xf32, #tpu.memory_space<vmem>>, %arg13: memref<128x128xf32, #tpu.memory_space<vmem>>, %arg14: memref<1x128xf32, #tpu.memory_space<vmem>>, %arg15: memref<128x128xf32, #tpu.memory_space<vmem>>, %arg16: memref<1x128xf32, #tpu.memory_space<vmem>>, %arg17: memref<1280x128xf32, #tpu.memory_space<vmem>>) attributes {dimension_semantics = [#tpu.dimension_semantics<arbitrary>], iteration_bounds = array<i64: 250>, scalar_prefetch = 0 : i64, scratch_operands = 0 : i64, tpu.core_type = #tpu.core_type<tc>, window_params = [{transform_indices = @transform_0, window_bounds = array<i64: 1280, 64>}, {transform_indices = @transform_1, window_bounds = array<i64: 1280, 128>}, {transform_indices = @transform_2, window_bounds = array<i64: 1280, 128>}, {pipeline_mode = #tpu.pipeline_mode<synchronous>, transform_indices = @transform_3, window_bounds = array<i64: 64, 128>}, {pipeline_mode = #tpu.pipeline_mode<synchronous>, transform_indices = @transform_4, window_bounds = array<i64: 128, 128>}, {pipeline_mode = #tpu.pipeline_mode<synchronous>, transform_indices = @transform_5, window_bounds = array<i64: 1, 128>}, {pipeline_mode = #tpu.pipeline_mode<synchronous>, transform_indices = @transform_6, window_bounds = array<i64: 128, 128>}, {pipeline_mode = #tpu.pipeline_mode<synchronous>, transform_indices = @transform_7, window_bounds = array<i64: 1, 128>}, {pipeline_mode = #tpu.pipeline_mode<synchronous>, transform_indices = @transform_8, window_bounds = array<i64: 128, 128>}, {pipeline_mode = #tpu.pipeline_mode<synchronous>, transform_indices = @transform_9, window_bounds = array<i64: 1, 128>}, {pipeline_mode = #tpu.pipeline_mode<synchronous>, transform_indices = @transform_10, window_bounds = array<i64: 128, 128>}, {pipeline_mode = #tpu.pipeline_mode<synchronous>, transform_indices = @transform_11, window_bounds = array<i64: 1, 128>}, {pipeline_mode = #tpu.pipeline_mode<synchronous>, transform_indices = @transform_12, window_bounds = array<i64: 128, 128>}, {pipeline_mode = #tpu.pipeline_mode<synchronous>, transform_indices = @transform_13, window_bounds = array<i64: 1, 128>}, {pipeline_mode = #tpu.pipeline_mode<synchronous>, transform_indices = @transform_14, window_bounds = array<i64: 128, 128>}, {pipeline_mode = #tpu.pipeline_mode<synchronous>, transform_indices = @transform_15, window_bounds = array<i64: 1, 128>}, {transform_indices = @transform_16, window_bounds = array<i64: 1280, 128>}]} {
    %get3A = arith.constant 0 : index
    %get3A_0 = arith.constant 0 : index
    %get3A_1 = vector.load %arg2[%get3A, %get3A_0] : memref<1280x128xf32, #tpu.memory_space<vmem>>, vector<1280x128xf32>
    %get3A_2 = arith.constant 0 : index
    %get3A_3 = arith.constant 0 : index
    %get3A_4 = vector.load %arg1[%get3A_2, %get3A_3] : memref<1280x64xf32, #tpu.memory_space<vmem>>, vector<1280x64xf32>
    %get3A_5 = arith.constant 0 : index
    %get3A_6 = arith.constant 0 : index
    %get3A_7 = vector.load %arg4[%get3A_5, %get3A_6] : memref<64x128xf32, #tpu.memory_space<vmem>>, vector<64x128xf32>
    %dot_general3A = arith.constant dense<0.000000e+00> : vector<1280x128xf32>
    %dot_general3A_8 = tpu.matmul %get3A_4, %get3A_7, %dot_general3A {dimension_numbers = #tpu.dot_dimension_numbers<[1], [0], [0], [1], [0, 0, 1, 1], [], []>, transpose_lhs_hint = false} : vector<1280x64xf32>, vector<64x128xf32>, vector<1280x128xf32> -> vector<1280x128xf32>
    %neg3A = arith.constant 0.000000e+00 : f32
    %neg3A_9 = vector.broadcast %neg3A : f32 to vector<1280x128xf32>
    %neg3A_10 = arith.subf %neg3A_9, %dot_general3A_8 : vector<1280x128xf32>
    %exp3A = math.exp %neg3A_10 : vector<1280x128xf32>
    %add3A = arith.constant 1.000000e+00 : f32
    %add3A_11 = vector.broadcast %add3A : f32 to vector<1280x128xf32>
    %add3A_12 = arith.addf %add3A_11, %exp3A : vector<1280x128xf32>
    %div3A = arith.divf %dot_general3A_8, %add3A_12 : vector<1280x128xf32>
    %add3A_13 = arith.addf %get3A_1, %div3A : vector<1280x128xf32>
    %get3A_14 = arith.constant 0 : index
    %get3A_15 = arith.constant 0 : index
    %get3A_16 = vector.load %arg5[%get3A_14, %get3A_15] : memref<128x128xf32, #tpu.memory_space<vmem>>, vector<128x128xf32>
    %dot_general3A_17 = arith.constant dense<0.000000e+00> : vector<1280x128xf32>
    %dot_general3A_18 = tpu.matmul %add3A_13, %get3A_16, %dot_general3A_17 {dimension_numbers = #tpu.dot_dimension_numbers<[1], [0], [0], [1], [0, 0, 1, 1], [], []>, transpose_lhs_hint = false} : vector<1280x128xf32>, vector<128x128xf32>, vector<1280x128xf32> -> vector<1280x128xf32>
    %get3A_19 = arith.constant 0 : index
    %get3A_20 = arith.constant 0 : index
    %get3A_21 = vector.load %arg6[%get3A_19, %get3A_20] : memref<1x128xf32, #tpu.memory_space<vmem>>, vector<1x128xf32>
    %add3A_22 = vector.broadcast %get3A_21 : vector<1x128xf32> to vector<1280x128xf32>
    %add3A_23 = arith.addf %dot_general3A_18, %add3A_22 : vector<1280x128xf32>
    %neg3A_24 = arith.constant 0.000000e+00 : f32
    %neg3A_25 = vector.broadcast %neg3A_24 : f32 to vector<1280x128xf32>
    %neg3A_26 = arith.subf %neg3A_25, %add3A_23 : vector<1280x128xf32>
    %exp3A_27 = math.exp %neg3A_26 : vector<1280x128xf32>
    %add3A_28 = arith.constant 1.000000e+00 : f32
    %add3A_29 = vector.broadcast %add3A_28 : f32 to vector<1280x128xf32>
    %add3A_30 = arith.addf %add3A_29, %exp3A_27 : vector<1280x128xf32>
    %div3A_31 = arith.divf %add3A_23, %add3A_30 : vector<1280x128xf32>
    %get3A_32 = arith.constant 0 : index
    %get3A_33 = arith.constant 0 : index
    %get3A_34 = vector.load %arg7[%get3A_32, %get3A_33] : memref<128x128xf32, #tpu.memory_space<vmem>>, vector<128x128xf32>
    %dot_general3A_35 = arith.constant dense<0.000000e+00> : vector<1280x128xf32>
    %dot_general3A_36 = tpu.matmul %div3A_31, %get3A_34, %dot_general3A_35 {dimension_numbers = #tpu.dot_dimension_numbers<[1], [0], [0], [1], [0, 0, 1, 1], [], []>, transpose_lhs_hint = false} : vector<1280x128xf32>, vector<128x128xf32>, vector<1280x128xf32> -> vector<1280x128xf32>
    %get3A_37 = arith.constant 0 : index
    %get3A_38 = arith.constant 0 : index
    %get3A_39 = vector.load %arg8[%get3A_37, %get3A_38] : memref<1x128xf32, #tpu.memory_space<vmem>>, vector<1x128xf32>
    %add3A_40 = vector.broadcast %get3A_39 : vector<1x128xf32> to vector<1280x128xf32>
    %add3A_41 = arith.addf %dot_general3A_36, %add3A_40 : vector<1280x128xf32>
    %neg3A_42 = arith.constant 0.000000e+00 : f32
    %neg3A_43 = vector.broadcast %neg3A_42 : f32 to vector<1280x128xf32>
    %neg3A_44 = arith.subf %neg3A_43, %add3A_41 : vector<1280x128xf32>
    %exp3A_45 = math.exp %neg3A_44 : vector<1280x128xf32>
    %add3A_46 = arith.constant 1.000000e+00 : f32
    %add3A_47 = vector.broadcast %add3A_46 : f32 to vector<1280x128xf32>
    %add3A_48 = arith.addf %add3A_47, %exp3A_45 : vector<1280x128xf32>
    %div3A_49 = arith.divf %add3A_41, %add3A_48 : vector<1280x128xf32>
    %add3A_50 = arith.addf %add3A_13, %div3A_49 : vector<1280x128xf32>
    %get3A_51 = arith.constant 0 : index
    %get3A_52 = arith.constant 0 : index
    %get3A_53 = vector.load %arg3[%get3A_51, %get3A_52] : memref<1280x128xf32, #tpu.memory_space<vmem>>, vector<1280x128xf32>
    %add3A_54 = arith.addf %add3A_50, %get3A_53 : vector<1280x128xf32>
    %get3A_55 = arith.constant 0 : index
    %get3A_56 = arith.constant 0 : index
    %get3A_57 = vector.load %arg9[%get3A_55, %get3A_56] : memref<128x128xf32, #tpu.memory_space<vmem>>, vector<128x128xf32>
    %dot_general3A_58 = arith.constant dense<0.000000e+00> : vector<1280x128xf32>
    %dot_general3A_59 = tpu.matmul %add3A_54, %get3A_57, %dot_general3A_58 {dimension_numbers = #tpu.dot_dimension_numbers<[1], [0], [0], [1], [0, 0, 1, 1], [], []>, transpose_lhs_hint = false} : vector<1280x128xf32>, vector<128x128xf32>, vector<1280x128xf32> -> vector<1280x128xf32>
    %get3A_60 = arith.constant 0 : index
    %get3A_61 = arith.constant 0 : index
    %get3A_62 = vector.load %arg10[%get3A_60, %get3A_61] : memref<1x128xf32, #tpu.memory_space<vmem>>, vector<1x128xf32>
    %add3A_63 = vector.broadcast %get3A_62 : vector<1x128xf32> to vector<1280x128xf32>
    %add3A_64 = arith.addf %dot_general3A_59, %add3A_63 : vector<1280x128xf32>
    %neg3A_65 = arith.constant 0.000000e+00 : f32
    %neg3A_66 = vector.broadcast %neg3A_65 : f32 to vector<1280x128xf32>
    %neg3A_67 = arith.subf %neg3A_66, %add3A_64 : vector<1280x128xf32>
    %exp3A_68 = math.exp %neg3A_67 : vector<1280x128xf32>
    %add3A_69 = arith.constant 1.000000e+00 : f32
    %add3A_70 = vector.broadcast %add3A_69 : f32 to vector<1280x128xf32>
    %add3A_71 = arith.addf %add3A_70, %exp3A_68 : vector<1280x128xf32>
    %div3A_72 = arith.divf %add3A_64, %add3A_71 : vector<1280x128xf32>
    %get3A_73 = arith.constant 0 : index
    %get3A_74 = arith.constant 0 : index
    %get3A_75 = vector.load %arg11[%get3A_73, %get3A_74] : memref<128x128xf32, #tpu.memory_space<vmem>>, vector<128x128xf32>
    %dot_general3A_76 = arith.constant dense<0.000000e+00> : vector<1280x128xf32>
    %dot_general3A_77 = tpu.matmul %div3A_72, %get3A_75, %dot_general3A_76 {dimension_numbers = #tpu.dot_dimension_numbers<[1], [0], [0], [1], [0, 0, 1, 1], [], []>, transpose_lhs_hint = false} : vector<1280x128xf32>, vector<128x128xf32>, vector<1280x128xf32> -> vector<1280x128xf32>
    %get3A_78 = arith.constant 0 : index
    %get3A_79 = arith.constant 0 : index
    %get3A_80 = vector.load %arg12[%get3A_78, %get3A_79] : memref<1x128xf32, #tpu.memory_space<vmem>>, vector<1x128xf32>
    %add3A_81 = vector.broadcast %get3A_80 : vector<1x128xf32> to vector<1280x128xf32>
    %add3A_82 = arith.addf %dot_general3A_77, %add3A_81 : vector<1280x128xf32>
    %neg3A_83 = arith.constant 0.000000e+00 : f32
    %neg3A_84 = vector.broadcast %neg3A_83 : f32 to vector<1280x128xf32>
    %neg3A_85 = arith.subf %neg3A_84, %add3A_82 : vector<1280x128xf32>
    %exp3A_86 = math.exp %neg3A_85 : vector<1280x128xf32>
    %add3A_87 = arith.constant 1.000000e+00 : f32
    %add3A_88 = vector.broadcast %add3A_87 : f32 to vector<1280x128xf32>
    %add3A_89 = arith.addf %add3A_88, %exp3A_86 : vector<1280x128xf32>
    %div3A_90 = arith.divf %add3A_82, %add3A_89 : vector<1280x128xf32>
    %add3A_91 = arith.addf %add3A_54, %div3A_90 : vector<1280x128xf32>
    %get3A_92 = arith.constant 0 : index
    %get3A_93 = arith.constant 0 : index
    %get3A_94 = vector.load %arg13[%get3A_92, %get3A_93] : memref<128x128xf32, #tpu.memory_space<vmem>>, vector<128x128xf32>
    %dot_general3A_95 = arith.constant dense<0.000000e+00> : vector<1280x128xf32>
    %dot_general3A_96 = tpu.matmul %add3A_91, %get3A_94, %dot_general3A_95 {dimension_numbers = #tpu.dot_dimension_numbers<[1], [0], [0], [1], [0, 0, 1, 1], [], []>, transpose_lhs_hint = false} : vector<1280x128xf32>, vector<128x128xf32>, vector<1280x128xf32> -> vector<1280x128xf32>
    %get3A_97 = arith.constant 0 : index
    %get3A_98 = arith.constant 0 : index
    %get3A_99 = vector.load %arg14[%get3A_97, %get3A_98] : memref<1x128xf32, #tpu.memory_space<vmem>>, vector<1x128xf32>
    %add3A_100 = vector.broadcast %get3A_99 : vector<1x128xf32> to vector<1280x128xf32>
    %add3A_101 = arith.addf %dot_general3A_96, %add3A_100 : vector<1280x128xf32>
    %neg3A_102 = arith.constant 0.000000e+00 : f32
    %neg3A_103 = vector.broadcast %neg3A_102 : f32 to vector<1280x128xf32>
    %neg3A_104 = arith.subf %neg3A_103, %add3A_101 : vector<1280x128xf32>
    %exp3A_105 = math.exp %neg3A_104 : vector<1280x128xf32>
    %add3A_106 = arith.constant 1.000000e+00 : f32
    %add3A_107 = vector.broadcast %add3A_106 : f32 to vector<1280x128xf32>
    %add3A_108 = arith.addf %add3A_107, %exp3A_105 : vector<1280x128xf32>
    %div3A_109 = arith.divf %add3A_101, %add3A_108 : vector<1280x128xf32>
    %get3A_110 = arith.constant 0 : index
    %get3A_111 = arith.constant 0 : index
    %get3A_112 = vector.load %arg15[%get3A_110, %get3A_111] : memref<128x128xf32, #tpu.memory_space<vmem>>, vector<128x128xf32>
    %dot_general3A_113 = arith.constant dense<0.000000e+00> : vector<1280x128xf32>
    %dot_general3A_114 = tpu.matmul %div3A_109, %get3A_112, %dot_general3A_113 {dimension_numbers = #tpu.dot_dimension_numbers<[1], [0], [0], [1], [0, 0, 1, 1], [], []>, transpose_lhs_hint = false} : vector<1280x128xf32>, vector<128x128xf32>, vector<1280x128xf32> -> vector<1280x128xf32>
    %get3A_115 = arith.constant 0 : index
    %get3A_116 = arith.constant 0 : index
    %get3A_117 = vector.load %arg16[%get3A_115, %get3A_116] : memref<1x128xf32, #tpu.memory_space<vmem>>, vector<1x128xf32>
    %add3A_118 = vector.broadcast %get3A_117 : vector<1x128xf32> to vector<1280x128xf32>
    %add3A_119 = arith.addf %dot_general3A_114, %add3A_118 : vector<1280x128xf32>
    %neg3A_120 = arith.constant 0.000000e+00 : f32
    %neg3A_121 = vector.broadcast %neg3A_120 : f32 to vector<1280x128xf32>
    %neg3A_122 = arith.subf %neg3A_121, %add3A_119 : vector<1280x128xf32>
    %exp3A_123 = math.exp %neg3A_122 : vector<1280x128xf32>
    %add3A_124 = arith.constant 1.000000e+00 : f32
    %add3A_125 = vector.broadcast %add3A_124 : f32 to vector<1280x128xf32>
    %add3A_126 = arith.addf %add3A_125, %exp3A_123 : vector<1280x128xf32>
    %div3A_127 = arith.divf %add3A_119, %add3A_126 : vector<1280x128xf32>
    %add3A_128 = arith.addf %add3A_91, %div3A_127 : vector<1280x128xf32>
    %swap3A = arith.constant 0 : index
    %swap3A_129 = arith.constant 0 : index
    %swap3A_130 = vector.load %arg17[%swap3A, %swap3A_129] : memref<1280x128xf32, #tpu.memory_space<vmem>>, vector<1280x128xf32>
    tpu.vector_store %arg17[%swap3A, %swap3A_129], %add3A_128 {strides = array<i32>} : memref<1280x128xf32, #tpu.memory_space<vmem>>, vector<1280x128xf32>,
    return
  }
  func.func @transform_0(%arg0: i32) -> (i32, i32) {
    %c0_i32 = arith.constant 0 : i32
    %c0_i32_0 = arith.constant 0 : i32
    return %arg0, %c0_i32 : i32, i32
  }
  func.func @transform_1(%arg0: i32) -> (i32, i32) {
    %c0_i32 = arith.constant 0 : i32
    %c0_i32_0 = arith.constant 0 : i32
    return %arg0, %c0_i32 : i32, i32
  }
  func.func @transform_2(%arg0: i32) -> (i32, i32) {
    %c0_i32 = arith.constant 0 : i32
    %c0_i32_0 = arith.constant 0 : i32
    return %arg0, %c0_i32 : i32, i32
  }
  func.func @transform_3(%arg0: i32) -> (i32, i32) {
    %c0_i32 = arith.constant 0 : i32
    %c0_i32_0 = arith.constant 0 : i32
    %c0_i32_1 = arith.constant 0 : i32
    return %c0_i32, %c0_i32_0 : i32, i32
  }
  func.func @transform_4(%arg0: i32) -> (i32, i32) {
    %c0_i32 = arith.constant 0 : i32
    %c0_i32_0 = arith.constant 0 : i32
    %c0_i32_1 = arith.constant 0 : i32
    return %c0_i32, %c0_i32_0 : i32, i32
  }
  func.func @transform_5(%arg0: i32) -> (i32, i32) {
    %c0_i32 = arith.constant 0 : i32
    %c0_i32_0 = arith.constant 0 : i32
    %c0_i32_1 = arith.constant 0 : i32
    return %c0_i32, %c0_i32_0 : i32, i32
  }
  func.func @transform_6(%arg0: i32) -> (i32, i32) {
    %c0_i32 = arith.constant 0 : i32
    %c0_i32_0 = arith.constant 0 : i32
    %c0_i32_1 = arith.constant 0 : i32
    return %c0_i32, %c0_i32_0 : i32, i32
  }
  func.func @transform_7(%arg0: i32) -> (i32, i32) {
    %c0_i32 = arith.constant 0 : i32
    %c0_i32_0 = arith.constant 0 : i32
    %c0_i32_1 = arith.constant 0 : i32
    return %c0_i32, %c0_i32_0 : i32, i32
  }
  func.func @transform_8(%arg0: i32) -> (i32, i32) {
    %c0_i32 = arith.constant 0 : i32
    %c0_i32_0 = arith.constant 0 : i32
    %c0_i32_1 = arith.constant 0 : i32
    return %c0_i32, %c0_i32_0 : i32, i32
  }
  func.func @transform_9(%arg0: i32) -> (i32, i32) {
    %c0_i32 = arith.constant 0 : i32
    %c0_i32_0 = arith.constant 0 : i32
    %c0_i32_1 = arith.constant 0 : i32
    return %c0_i32, %c0_i32_0 : i32, i32
  }
  func.func @transform_10(%arg0: i32) -> (i32, i32) {
    %c0_i32 = arith.constant 0 : i32
    %c0_i32_0 = arith.constant 0 : i32
    %c0_i32_1 = arith.constant 0 : i32
    return %c0_i32, %c0_i32_0 : i32, i32
  }
  func.func @transform_11(%arg0: i32) -> (i32, i32) {
    %c0_i32 = arith.constant 0 : i32
    %c0_i32_0 = arith.constant 0 : i32
    %c0_i32_1 = arith.constant 0 : i32
    return %c0_i32, %c0_i32_0 : i32, i32
  }
  func.func @transform_12(%arg0: i32) -> (i32, i32) {
    %c0_i32 = arith.constant 0 : i32
    %c0_i32_0 = arith.constant 0 : i32
    %c0_i32_1 = arith.constant 0 : i32
    return %c0_i32, %c0_i32_0 : i32, i32
  }
  func.func @transform_13(%arg0: i32) -> (i32, i32) {
    %c0_i32 = arith.constant 0 : i32
    %c0_i32_0 = arith.constant 0 : i32
    %c0_i32_1 = arith.constant 0 : i32
    return %c0_i32, %c0_i32_0 : i32, i32
  }
  func.func @transform_14(%arg0: i32) -> (i32, i32) {
    %c0_i32 = arith.constant 0 : i32
    %c0_i32_0 = arith.constant 0 : i32
    %c0_i32_1 = arith.constant 0 : i32
    return %c0_i32, %c0_i32_0 : i32, i32
  }
  func.func @transform_15(%arg0: i32) -> (i32, i32) {
    %c0_i32 = arith.constant 0 : i32
    %c0_i32_0 = arith.constant 0 : i32
    %c0_i32_1 = arith.constant 0 : i32
    return %c0_i32, %c0_i32_0 : i32, i32
  }
  func.func @transform_16(%arg0: i32) -> (i32, i32) {
    %c0_i32 = arith.constant 0 : i32
    %c0_i32_0 = arith.constant 0 : i32
    return %arg0, %c0_i32 : i32, i32
  }
}

</mosaic_0001>

<sc_bundles>
// kernel: kernel.6.cloned.1.call-start
scs
__scs_entry_jumppad:
0x0: {  	(pc) =	sbr.rel $0x88, $3  }
0x1: {  	(tag) =	ssettag $0x0;
	lr =	simm.s32 $0x1  }
0x2: {  	[smem:$0x3F8C] =	sst lr;
	_ =	strace $0xD0000000  }
0x3: {  	_ = 	snop  }
0x4: {  	_ = 	snop  }
0x5: {  	_ = 	snop  }
0x6: {  	_ = 	snop  }
0x7: {  	_ = 	snop  }
__scs_overlays_trampoline_lowered:
0x8: {  	[smem:$0x3F9B] =	sst s0  }
0x9: {  	[smem:$0x3F9C] =	sst s1  }
0xa: {  	[smem:$0x3F9D] =	sst s2  }
0xb: {  	[smem:$0x3F9E] =	sst s3  }
0xc: {  	[smem:$0x3F9F] =	sst s4  }
0xd: {  	[smem:$0x3FA0] =	sst s5  }
0xe: {  	[smem:$0x3FA1] =	sst s6  }
0xf: {  	[smem:$0x3FA2] =	sst s7  }
0x10: {  	[smem:$0x3FA3] =	sst s8  }
0x11: {  	[smem:$0x3FA4] =	sst s9;
	s0 =	simm.s32 @!p0 $0x0  }
0x12: {  	s1 =	sld [smem:$0x3F8A];
	s0 =	simm.s32 @p0 $0x1  }
0x13: {  	[smem:$0x3FA5] =	sst s0;
	s0 =	simm.s32 @!p1 $0x0  }
0x14: {  	s2 =	sld [smem:$0x3F89];
	s0 =	simm.s32 @p1 $0x1  }
0x15: {  	[smem:$0x3FA6] =	sst s0;
	s0 =	simm.s32 @!p2 $0x0  }
0x16: {  	s3 =	sld [smem:$0x3FDB];
	s0 =	simm.s32 @p2 $0x1  }
0x17: {  	s4 =	simm.s32 $0x1BF5;
	[smem:$0x3FA8] =	sst s0  }
0x18: {  	s0 =	sld [smem:$0x3F8B];
	_ =	swait.ge [sflag:s4], $0x0  }
0x19: {  	s7 =	sld [smem:$0x3F8C]  }
0x1a: {  	s8 =	sadd.s32 $0xFFFFE003, lr  }
0x1b: {  	s9 =	sadd.s32 $0xFFFFFEF7, lr;
	s5 =	simm.s32 $0xFFFFFFFF;
	p2 =	slt.u32 s8, $0xFFFFF086  }
0x1c: {  	p1 =	slt.u32 s9, $0xF7A;
	s5 =	simm.s32 @!p2 $0x0  }
0x1d: {  	s5 =	simm.s32 @p1 $0x1;
	p0 =	seq.s32 s7, s2  }
0x1e: {  	s7 =	smul.u32 @!p0 $0xF7A, s2;
	p2 =	seq.s32 @!p0 s5, $0x0  }
0x1f: {  	s9 =	smul.u32 $0xF7A, s1;
	s8 =	simm.s32 @!p0 $0x1BF5;
	p2 =	por !p2, p0  }
0x20: {  	[sflag:s8] =	ssyncset.s32 @!p0 $0xFFFFF086;
	s6 =	sadd.s32 @!p0 s3, s7;
	s7 =	simm.s32 @!p0 $0x108  }
0x21: {  	s3 =	sadd.s32 s3, s9;
	s6 =	sadd.s32 @!p0 $0x88, s6;
	s7 =	simm.s32 @p2 $0x1082  }
0x22: {  	[simem:s7], [sflag:s8] =	dma.local @!p0 [hbm:s6], $0xF7A  }
0x23: {  	s9 =	sor.u32 $0xD0000000, s2;
	s6 =	simm.s32 $0x108;
	_ =	swait.ge @!p0 [sflag:s8], $0x0  }
0x24: {  	s3 =	sadd.s32 $0x88, s3;
	s6 =	simm.s32 @!p1 $0x1082;
	[sflag:s4] =	ssyncset.s32 $0xFFFFF086  }
0x25: {  	[simem:s6], [sflag:s4] =	dma.local [hbm:s3], $0xF7A  }
0x26: {  	[smem:$0x3F8C] =	sst s1;
	(tag) =	ssettag s2;
	_ =	strace s9  }
0x27: {  	s1 =	sld [smem:$0x3F9C]  }
0x28: {  	s2 =	sld [smem:$0x3F9D]  }
0x29: {  	s4 =	sld [smem:$0x3F9F]  }
0x2a: {  	p0 =	seq.s32 s5, $0x0;
	s5 =	sld [smem:$0x3FA0]  }
0x2b: {  	s6 =	sld [smem:$0x3FA1]  }
0x2c: {  	s7 =	sld [smem:$0x3FA2]  }
0x2d: {  	s3 =	simm.s32 $0x108;
	s8 =	sld [smem:$0x3FA3]  }
0x2e: {  	s3 =	simm.s32 @!p0 $0x1082;
	s9 =	sld [smem:$0x3FA4]  }
0x2f: {  	lr =	sadd.s32 s0, s3;
	s0 =	sld [smem:$0x3F9B]  }
0x30: {  	s3 =	sld [smem:$0x3F9E]  }
0x31: {  	[smem:$0x3FA7] =	sst s10  }
0x32: {  	s10 =	sld [smem:$0x3FA5];
	_ =	sdelay $0x3  }
0x33: {  	p0 =	seq.s32 s10, $0x1;
	s10 =	sld [smem:$0x3FA7];
	_ =	sdelay $0x3  }
0x34: {  	[smem:$0x3FA7] =	sst s10  }
0x35: {  	s10 =	sld [smem:$0x3FA6];
	_ =	sdelay $0x3  }
0x36: {  	p1 =	seq.s32 s10, $0x1;
	s10 =	sld [smem:$0x3FA7];
	_ =	sdelay $0x3  }
0x37: {  	[smem:$0x3FA7] =	sst s10  }
0x38: {  	s10 =	sld [smem:$0x3FA8]  }
0x39: {  	_ = 	snop;
	(pc) =	sbr.ind lr, $3  }
0x3a: {  	_ = 	snop  }
0x3b: {  	_ = 	snop  }
0x3c: {  	p2 =	seq.s32 s10, $0x1;
	s10 =	sld [smem:$0x3FA7]  }
0x3d: {  	_ =	shalt  }
0x3e: {  	_ =	shalt  }
0x3f: {  	_ =	shalt  }
0x40: {  	_ =	shalt  }
0x41: {  	_ =	shalt  }
0x42: {  	_ =	shalt  }
0x43: {  	_ =	shalt  }
0x44: {  	_ =	shalt  }
0x45: {  	_ =	shalt  }
0x46: {  	_ =	shalt  }
0x47: {  	_ =	shalt  }
0x48: {  	_ =	shalt  }
0x49: {  	_ =	shalt  }
0x4a: {  	_ =	shalt  }
0x4b: {  	_ =	shalt  }
0x4c: {  	_ =	shalt  }
0x4d: {  	_ =	shalt  }
0x4e: {  	_ =	shalt  }
0x4f: {  	_ =	shalt  }
0x50: {  	_ =	shalt  }
0x51: {  	_ =	shalt  }
0x52: {  	_ =	shalt  }
0x53: {  	_ =	shalt  }
0x54: {  	_ =	shalt  }
0x55: {  	_ =	shalt  }
0x56: {  	_ =	shalt  }
0x57: {  	_ =	shalt  }
0x58: {  	_ =	shalt  }
0x59: {  	_ =	shalt  }
0x5a: {  	_ =	shalt  }
0x5b: {  	_ =	shalt  }
0x5c: {  	_ =	shalt  }
0x5d: {  	_ =	shalt  }
0x5e: {  	_ =	shalt  }
0x5f: {  	_ =	shalt  }
0x60: {  	_ =	shalt  }
0x61: {  	_ =	shalt  }
0x62: {  	_ =	shalt  }
0x63: {  	_ =	shalt  }
0x64: {  	_ =	shalt  }
0x65: {  	_ =	shalt  }
0x66: {  	_ =	shalt  }
0x67: {  	_ =	shalt  }
0x68: {  	_ =	shalt  }
0x69: {  	_ =	shalt  }
0x6a: {  	_ =	shalt  }
0x6b: {  	_ =	shalt  }
0x6c: {  	_ =	shalt  }
0x6d: {  	_ =	shalt  }
0x6e: {  	_ =	shalt  }
0x6f: {  	_ =	shalt  }
0x70: {  	_ =	shalt  }
0x71: {  	_ =	shalt  }
0x72: {  	_ =	shalt  }
0x73: {  	_ =	shalt  }
0x74: {  	_ =	shalt  }
0x75: {  	_ =	shalt  }
0x76: {  	_ =	shalt  }
0x77: {  	_ =	shalt  }
0x78: {  	_ =	shalt  }
0x79: {  	_ =	shalt  }
0x7a: {  	_ =	shalt  }
0x7b: {  	_ =	shalt  }
0x7c: {  	_ =	shalt  }
0x7d: {  	_ =	shalt  }
0x7e: {  	_ =	shalt  }
0x7f: {  	_ =	shalt  }
0x80: {  	_ =	shalt  }
0x81: {  	_ =	shalt  }
0x82: {  	_ =	shalt  }
0x83: {  	_ =	shalt  }
0x84: {  	_ =	shalt  }
0x85: {  	_ =	shalt  }
0x86: {  	_ =	shalt  }
0x87: {  	_ =	shalt  }
.Lfunc_end0:
.L_simem_size_0:
called_computation_lowered:
.L_overlay_start_0:
0x88: {  	s2 =	sld [smem:$0x3FD9]  }
0x89: {  	s3 =	sld [smem:$0x3FFE];
	_ =	sdelay $0x1  }
0x8a: {  	s1 =	srdreg.scid  }
0x8b: {  	s0 =	sand.u32 $0x1, s1  }
0x8c: {  	s17 =	sshll.u32 s0, $0xA;
	s2 =	sadd.s32 s3, s2  }
0x8d: {  	s2 =	sadd.s32 s2, s17  }
0x8e: {  	[smem:$0x3FB3] =	sst s2  }
0x8f: {  	_ = 	snop  }
0x90: {  	s2 =	sld [smem:$0x3FC6]  }
0x91: {  	s18 =	sld [smem:$0x3FC5]  }
0x92: {  	s4 =	sld [smem:$0x3FD0];
	(tm) =	ssettm $0x1  }
0x93: {  	s5 =	sld [smem:$0x3FFB];
	_ =	sdelay $0x3  }
0x94: {  	_ =	strace s5  }
0x95: {  	s5 =	sld [smem:$0x3FFC];
	_ =	sdelay $0x3  }
0x96: {  	_ =	strace s5  }
0x97: {  	s5 =	sld [smem:$0x3FFD];
	_ =	sdelay $0x3  }
0x98: {  	_ =	strace s5  }
0x99: {  	_ =	strace $0x8FFFFFFF  }
0x9a: {  	s19 =	sld [smem:$0x3FDB];
	_ =	sdelay $0x1  }
0x9b: {  	s6 =	simm.s32 $_scs_section_size  }
0x9c: {  	s7 =	simm.s32 $_size__tile_overlayer_lowered;
	s8 =	simm.s32 $_tile_overlayer_lowered  }
0x9d: {  	s22 =	simm.s32 $0x1BFF;
	s21 =	sshll.u32 s8, $0x1;
	s5 =	sadd.s32 s6, s19  }
0x9e: {  	s9 =	simm.s32 $0x0;
	s20 =	sshll.u32 s7, $0x1;
	s7 =	sadd.s32 s21, s5  }
0x9f: {  	[timem:s9], [sflag:s22] =	dma.local [hbm:s7], s20  }
0xa0: {  	_ =	swait.ge [sflag:s22], s20  }
0xa1: {  	s6 =	ssub.s32 $0x0, s20;
	[sflag:s22] =	ssyncset.done $0x0  }
0xa2: {  	[sflag:s22] =	ssyncadd.s32 s6;
	_ =	sdelay $0x1  }
0xa3: {  	s23 =	simm.s32 $0x1B8B  }
0xa4: {  	_ =	swait.ge [sflag:s23], $0x1  }
0xa5: {  	[sflag:s23] =	ssyncset.done $0x0  }
0xa6: {  	s25 =	simm.s32 $0x1B8E;
	s24 =	sld [smem:$0x3FFE];
	[sflag:s23] =	ssyncadd.s32 $0xFFFFFFFF  }
0xa7: {  	s26 =	simm.s32 $execute0_lowered;
	[smem:$0x3FD2] =	sst s25  }
0xa8: {  	s7 =	sshll.u32 s26, $0x1;
	_ =	strace $0x80000046;
	[dreg:$0x1] =	wrdreg $0xFFFFFFFF  }
0xa9: {  	s28 =	simm.s32 $_size_execute0_lowered;
	s5 =	sadd.s32 s5, s7;
	[dreg:$0x0] =	wrdreg $0x0  }
0xaa: {  	s7 =	sshll.u32 s28, $0x1;
	[dreg:$0x2] =	wrdreg s5  }
0xab: {  	[dreg:$0x3] =	wrdreg s7  }
0xac: {  	[dreg:$0x4] =	wrdreg $0xC0  }
0xad: {  	_ =	task [dreg:s9], $0x5FFFF  }
0xae: {  	[dreg:$0x1] =	wrdreg $0xFFFFFFFF  }
0xaf: {  	[dreg:$0x0] =	wrdreg $0x60  }
0xb0: {  	[dreg:$0x2] =	wrdreg s24  }
0xb1: {  	[dreg:$0x3] =	wrdreg s4  }
0xb2: {  	[dreg:$0x4] =	wrdreg s2  }
0xb3: {  	[dreg:$0x5] =	wrdreg s18  }
0xb4: {  	[dreg:$0x6] =	wrdreg $0xFF400  }
0xb5: {  	[dreg:$0x7] =	wrdreg $0x9  }
0xb6: {  	_ =	task.clear_ibuf [dreg:s9], $0x8FFFF;
	_ =	strace $0x90000046  }
0xb7: {  	s29 =	simm.s32 $0x9;
	_ =	strace $0x80000048  }
0xb8: {  	_ =	swait.ge [sflag:s29], $0x1  }
0xb9: {  	[sflag:s29] =	ssyncadd.s32 $0xFFFFFFFF  }
0xba: {  	_ =	strace $0x90000048  }
0xbb: {  	_ =	sfence  }
0xbc: {  	s30 =	sld [smem:$0x0];
	_ =	sdelay $0x2  }
0xbd: {  	s31 =	sshll.u32 s1, $0xD;
	s1 =	sshrl.u32 s1, $0x2  }
0xbe: {  	s3 =	sand.u32 $0x4000, s31;
	s1 =	sadd.s32 s1, s30  }
0xbf: {  	s0 =	sor.u32 s3, s0;
	s1 =	sshll.u32 s1, $0x11  }
0xc0: {  	s0 =	sor.u32 s1, s0  }
0xc1: {  	s0 =	sadd.s32 $0x8F2B, s0  }
0xc2: {  	[sflag:s0] =	ssyncadd.remote.s32 $0x1  }
0xc3: {  	_ =	sfence.sel $0xFFFF  }
0xc4: {  	[dreg:$0x0] =	wrdreg $0xFFFFFFFF;
	(pc) =	sbr.abs _section_cstart, $3  }
0xc5: {  	[dreg:$0x1] =	wrdreg $0xFFFFFFFF  }
0xc6: {  	_ =	task.clear_ibuf [dreg:s9], $0x2FFFF;
	_ =	strace $0x9FFFFFFF  }
0xc7: {  	(tm) =	ssettm $0x7FFFFFFF  }
tec
execute0_lowered:
.L_overlay_start_1:
0x0: {  	(tag) =	ssettag $0x1  }
0x1: {  	s0 =	rddreg [dreg:$0x0]  }
0x2: {  	s1 =	rddreg [dreg:$0x1]  }
0x3: {  	s2 =	rddreg [dreg:$0x2]  }
0x4: {  	s3 =	rddreg [dreg:$0x3]  }
0x5: {  	s4 =	rddreg [dreg:$0x4];
	s9 =	simm.s32 $0x0;
	s5 =	srdreg.scid  }
0x6: {  	s8 =	stileid.u32;
	[smem:$0x7FF] =	sst s9  }
0x7: {  	s7 =	sadd.s32 $0x9C6A00, s0;
	s5 =	sand.u32 $0x1, s5;
	s18 =	smul.u32 $0x3E800, s8  }
0x8: {  	s0 =	sadd.s32 $0x2A00, s0;
	s19 =	sshll.u32 s8, $0x10;
	s11 =	smul.u32 $0x9C40, s8  }
0x9: {  	s8 =	smul.u32 $0x3E8, s8;
	_ =	strace $0x80000047;
	s6 =	ssub.s32 $0x2, s5  }
0xa: {  	s5 =	smul.u32 $0xA, s5;
	[dreg:$0x8] =	wrdreg s0;
	s17 =	sshrl.u32 s6, $0x1  }
0xb: {  	s28 =	simm.s32 $0x7E00;
	[dreg:$0x9] =	wrdreg s8;
	s0 =	ssub.s32 s6, s17  }
0xc: {  	[dreg:$0x7] =	wrdreg s5;
	s6 =	sadd.s32 s19, s4;
	s0 =	smax.u32 s0, $0x1  }
0xd: {  	s29 =	simm.s32 $0x1;
	s20 =	sadd.s32 $0x2000, s6;
	[dreg:$0xa] =	wrdreg s0  }
0xe: {  	s30 =	simm.s32 $0x80;
	s21 =	sadd.s32 $0x4000, s6;
	[dreg:$0xb] =	wrdreg s20  }
0xf: {  	s31 =	simm.s32 $0x9DC0;
	s22 =	sadd.s32 $0x6000, s6;
	[dreg:$0xc] =	wrdreg s21  }
0x10: {  	s13 =	simm.s32 $0x9E40;
	s23 =	sadd.s32 $0x8000, s6;
	[dreg:$0xd] =	wrdreg s22  }
0x11: {  	v0 =	vlaneseq.u32;
	s8 =	simm.s32 $0x9EC0;
	s24 =	sadd.s32 $0xA000, s6;
	[dreg:$0xe] =	wrdreg s23  }
0x12: {  	v2 =	vimm.f32 $0.0e+00;
	v3 =	vimm.s32 $0x0;
	v1 =	vmul.u32 $0x10, v0;
	s5 =	sshrl.u32 s18, $0x2;
	s25 =	sadd.s32 $0xC000, s6;
	[dreg:$0xf] =	wrdreg s24  }
.Ltmp0:
0x13: {  	v4 =	vor.u32 $0x3E80, v0;
	v6 =	vor.u32 $0x3E90, v0;
	v8 =	vor.u32 $0x3EA0, v0;
	s26 =	sadd.s32 $0xE000, s6;
	[dreg:$0x10] =	wrdreg s25;
	(pc) =	sbr.rel .LBB2_1-.Ltmp0, $4  }
0x14: {  	v10 =	vor.u32 $0x3EB0, v0;
	v12 =	vor.u32 $0x3EC0, v0;
	v14 =	vor.u32 $0x3ED0, v0;
	s5 =	sadd.s32 s5, s4;
	s20 =	smov.u32 s6;
	[dreg:$0x11] =	wrdreg s26  }
0x15: {  	v16 =	vor.u32 $0x3EE0, v0;
	v18 =	vor.u32 $0x3EF0, v0;
	v5 =	vor.u32 $0x1, v1;
	s21 =	simm.s32 $0xDF40;
	s22 =	simm.s32 $0x3;
	s23 =	simm.s32 $0x1F40  }
0x16: {  	v7 =	vor.u32 $0x2, v1;
	v9 =	vor.u32 $0x3, v1;
	v11 =	vor.u32 $0x4, v1;
	s24 =	simm.s32 $0x3E80;
	s25 =	sshrl.u32 s5, $0x3;
	s26 =	simm.s32 $0x5E40  }
0x17: {  	v13 =	vor.u32 $0x5, v1;
	v15 =	vor.u32 $0x6, v1;
	v17 =	vor.u32 $0x7, v1;
	s0 =	simm.s32 $0x9F40;
	s5 =	simm.s32 $0xBF40;
	s6 =	simm.s32 $0x2  }
.LBB2_13:
0x18: {  	s9 =	rddreg [dreg:$0x6]  }
0x19: {  	s10 =	rddreg [dreg:$0xa];
	s9 =	sadd.s32 $0x1, s9  }
0x1a: {  	p0 =	sne.s32 s9, s10  }
.Ltmp1:
0x1b: {  	_ = 	snop;
	(pc) =	sbr.rel @!p0 .LBB2_14-.Ltmp1, $1  }
0x1c: {  	_ =	sdelay $0x3  }
.LBB2_1:
0x1d: {  	[dreg:$0x6] =	wrdreg s9;
	s9 =	simm.s32 $0x100;
	s10 =	simm.s32 $0x0  }
.LBB2_2:
0x1e: {  	p0 =	sne.s32 s9, $0x7F00;
	[tilespmem:s10+$0xDF70] =	vst v2;
	s12 =	smov.u32 s9;
	s9 =	sadd.s32 $0x100, s9  }
.Ltmp2:
0x1f: {  	[tilespmem:s10+$0xDF60] =	vst v2;
	(pc) =	sbr.rel @p0 .LBB2_2-.Ltmp2, $3  }
0x20: {  	[tilespmem:s10+$0xDF40] =	vst v2  }
0x21: {  	[tilespmem:s10+$0xDF50] =	vst v2;
	_ =	sdelay $0x1  }
0x22: {  	s10 =	sshra.s32 s12, $0x2  }
.Ltmp3:
0x23: {  	(pc) =	sbr.rel .LBB2_4-.Ltmp3, $4  }
0x24: {  	[tilespmem:s10+$0xDF70] =	vst v2  }
0x25: {  	[tilespmem:s10+$0xDF60] =	vst v2  }
0x26: {  	[tilespmem:s10+$0xDF40] =	vst v2  }
0x27: {  	s9 =	simm.s32 $0x0;
	[tilespmem:s10+$0xDF50] =	vst v2  }
.LBB2_12:
0x28: {  	s10 =	rddreg [dreg:$0x9];
	s19 =	stileid.u32  }
0x29: {  	[bflag:$0x0] =	sbarrier.arrive $0xFFFF;
	s9 =	sadd.s32 $0x1, s9;
	s10 =	sadd.s32 s10, s12  }
0x2a: {  	s12 =	sshll.u32 s19, $0x6;
	s14 =	rddreg [dreg:$0x8];
	s10 =	sshll.u32 s10, $0x3  }
0x2b: {  	p0 =	sne.s32 s9, $0xA;
	s12 =	sor.u32 $0x1C03, s12;
	s10 =	sadd.s32 s14, s10  }
0x2c: {  	[hbm:s10], [sflag:s12] =	dma.local [spmem:s25], $0x1F40  }
.Ltmp4:
0x2d: {  	_ =	swait.ge [sflag:s22], $0x1F40;
	(pc) =	sbr.rel @!p0 .LBB2_13-.Ltmp4, $3  }
0x2e: {  	[sflag:s22] =	ssyncset.done $0x0  }
0x2f: {  	[sflag:s22] =	ssyncadd.s32 $0xFFFFE0C0  }
0x30: {  	[bflag:$0x0] =	sbarrier.arrive $0xFFFF;
	_ =	sdelay $0x1  }
.LBB2_4:
0x31: {  	[spmem:s20] =	stream.linear.scatter [tilespmem:s21], [sflag:$0x3], $0x2000, $0x38;
	[tilespmem:$0x1FF40] =	vst v63  }
0x32: {  	_ =	swait.ge [sflag:s22], $0x2000  }
0x33: {  	[sflag:s22] =	ssyncset.done $0x0  }
0x34: {  	s10 =	rddreg [dreg:$0xb];
	[sflag:s22] =	ssyncadd.s32 $0xFFFFE000  }
0x35: {  	[spmem:s10] =	stream.linear.scatter [tilespmem:s21], [sflag:$0x3], $0x2000, $0x38;
	[tilespmem:$0x1FF40] =	vst v63  }
0x36: {  	_ =	swait.ge [sflag:s22], $0x2000  }
0x37: {  	[sflag:s22] =	ssyncset.done $0x0  }
0x38: {  	s12 =	rddreg [dreg:$0xc];
	[sflag:s22] =	ssyncadd.s32 $0xFFFFE000  }
0x39: {  	[spmem:s12] =	stream.linear.scatter [tilespmem:s21], [sflag:$0x3], $0x2000, $0x38;
	[tilespmem:$0x1FF40] =	vst v63  }
0x3a: {  	_ =	swait.ge [sflag:s22], $0x2000  }
0x3b: {  	[sflag:s22] =	ssyncset.done $0x0  }
0x3c: {  	s14 =	rddreg [dreg:$0xd];
	[sflag:s22] =	ssyncadd.s32 $0xFFFFE000  }
0x3d: {  	[spmem:s14] =	stream.linear.scatter [tilespmem:s21], [sflag:$0x3], $0x2000, $0x38;
	[tilespmem:$0x1FF40] =	vst v63  }
0x3e: {  	_ =	swait.ge [sflag:s22], $0x2000  }
0x3f: {  	[sflag:s22] =	ssyncset.done $0x0  }
0x40: {  	s15 =	rddreg [dreg:$0xe];
	[sflag:s22] =	ssyncadd.s32 $0xFFFFE000  }
0x41: {  	[spmem:s15] =	stream.linear.scatter [tilespmem:s21], [sflag:$0x3], $0x2000, $0x38;
	[tilespmem:$0x1FF40] =	vst v63  }
0x42: {  	_ =	swait.ge [sflag:s22], $0x2000  }
0x43: {  	[sflag:s22] =	ssyncset.done $0x0  }
0x44: {  	s16 =	rddreg [dreg:$0xf];
	[sflag:s22] =	ssyncadd.s32 $0xFFFFE000  }
0x45: {  	[spmem:s16] =	stream.linear.scatter [tilespmem:s21], [sflag:$0x3], $0x2000, $0x38;
	[tilespmem:$0x1FF40] =	vst v63  }
0x46: {  	_ =	swait.ge [sflag:s22], $0x2000  }
0x47: {  	[sflag:s22] =	ssyncset.done $0x0  }
0x48: {  	s17 =	rddreg [dreg:$0x10];
	[sflag:s22] =	ssyncadd.s32 $0xFFFFE000  }
0x49: {  	[spmem:s17] =	stream.linear.scatter [tilespmem:s21], [sflag:$0x3], $0x2000, $0x38;
	[tilespmem:$0x1FF40] =	vst v63  }
0x4a: {  	_ =	swait.ge [sflag:s22], $0x2000  }
0x4b: {  	[sflag:s22] =	ssyncset.done $0x0  }
0x4c: {  	s18 =	rddreg [dreg:$0x11];
	[sflag:s22] =	ssyncadd.s32 $0xFFFFE000  }
0x4d: {  	[spmem:s18] =	stream.linear.scatter [tilespmem:s21], [sflag:$0x3], $0x2000, $0x38;
	[tilespmem:$0x1FF40] =	vst v63  }
0x4e: {  	_ =	swait.ge [sflag:s22], $0x2000  }
.Ltmp5:
0x4f: {  	s19 =	rddreg [dreg:$0x7];
	(pc) =	sbr.rel .LBB2_5-.Ltmp5, $4  }
0x50: {  	[sflag:s22] =	ssyncset.done $0x0;
	s10 =	sadd.s32 s19, s9  }
0x51: {  	[sflag:s22] =	ssyncadd.s32 $0xFFFFE000;
	s12 =	smul.u32 $0x3E80, s10  }
0x52: {  	[bflag:$0x0] =	sbarrier.arrive $0xFFFF  }
0x53: {  	s14 =	simm.s32 $0x0;
	s10 =	smov.u32 s11;
	v19 =	vmov s12  }
.LBB2_11:
0x54: {  	s14 =	sadd.s32 $0x1, s14  }
0x55: {  	p0 =	sne.s32 s14, $0x5  }
.Ltmp6:
0x56: {  	_ = 	snop;
	(pc) =	sbr.rel @!p0 .LBB2_12-.Ltmp6, $2  }
0x57: {  	_ =	sdelay $0x2  }
0x58: {  	s10 =	sadd.s32 $0x1F40, s10  }
.LBB2_5:
0x59: {  	s15 =	smul.u32 $0x1F40, s14;
	_ =	sdelay $0x1  }
0x5a: {  	s15 =	sadd.s32 s11, s15  }
0x5b: {  	s16 =	sshrl.u32 s15, $0x3  }
0x5c: {  	s15 =	simm.s32 $0x0;
	s17 =	sadd.s32 s3, s16  }
0x5d: {  	[tilespmem:s15], [sflag:$0x3] =	stream.linear.gather [hbm4b:s17+s15], $0x1F40, $0x38;
	[tilespmem:$0x1FF40] =	vst v63  }
0x5e: {  	_ =	swait.ge [sflag:s22], $0x1F40  }
0x5f: {  	[sflag:s22] =	ssyncset.done $0x0  }
0x60: {  	s16 =	sadd.s32 s2, s16;
	[sflag:s22] =	ssyncadd.s32 $0xFFFFE0C0  }
0x61: {  	[tilespmem:s23], [sflag:$0x3] =	stream.linear.gather [hbm4b:s16+s15], $0x1F40, $0x38;
	[tilespmem:$0x1FF40] =	vst v63  }
0x62: {  	_ =	swait.ge [sflag:s22], $0x1F40  }
0x63: {  	[sflag:s22] =	ssyncset.done $0x0  }
0x64: {  	s19 =	simm.s32 $0x0;
	[sflag:s22] =	ssyncadd.s32 $0xFFFFE0C0  }
0x65: {  	v20 =	vld [tilespmem:s19+$0x0];
	_ =	sdelay $0x4  }
0x66: {  	v20 =	vsub.s32 v20, v19  }
0x67: {  	vm0 =	vlt.u32 v20, $0x3E80  }
0x68: {  	v21 =	vsel vm0, $0x1, v3  }
0x69: {  	(xrf0) =	vadd.scan.msk.s32 $0xffff, v21;
	_ =	sdelay $0x2  }
0x6a: {  	v63 =	vmov s15  }
0x6b: {  	v21 =	vadd.s32 $0xFFFFFFFF, v63  }
0x6c: {  	v21 =	vbroadcast v21, $0x0  }
0x6d: {  	v22, _, _ =	vpop (xrf0)  }
0x6e: {  	v21 =	vadd.s32 v22, v21;
	(v2sf) =	vpush v22, $0xF  }
0x6f: {  	v23 =	vld [tilespmem:s19+$0x1F40];
	_ =	sdelay $0x2  }
0x70: {  	v24 =	vor.u32 s10, v0  }
0x71: {  	[tilespmem:v21+s24+$0x0] =	vst.idx.msk vm0, v24  }
0x72: {  	[tilespmem:v21+s26+$0x0] =	vst.idx.msk vm0, v23  }
0x73: {  	s18 =	simm.s32 $0x10;
	s17 =	simm.s32 $0x80;
	s16 =	smov.u32 s10;
	[tilespmem:v21+s28+$0x0] =	vst.idx.msk vm0, v20  }
.LBB2_6:
0x74: {  	p0 =	sne.s32 s17, $0x7CC0;
	v20 =	vld [tilespmem:s18+$0x0]  }
0x75: {  	v21 =	vld [tilespmem:s18+$0x1F40];
	_ =	sdelay $0x3  }
0x76: {  	v20 =	vsub.s32 v20, v19  }
0x77: {  	vm0 =	vlt.u32 v20, $0x3E80  }
0x78: {  	v22 =	vsel vm0, $0x1, v3;
	s18 =	spop (v2sf)  }
0x79: {  	(xrf0) =	vadd.scan.msk.s32 $0xffff, v22;
	s15 =	sadd.s32 s15, s18  }
0x7a: {  	v22 =	vmov s15  }
0x7b: {  	v22 =	vadd.s32 $0xFFFFFFFF, v22  }
0x7c: {  	v22 =	vbroadcast v22, $0x0;
	_ =	sdelay $0x2  }
0x7d: {  	v23, _, _ =	vpop (xrf0)  }
0x7e: {  	v22 =	vadd.s32 v23, v22;
	(v2sf) =	vpush v23, $0xF;
	_ =	sdelay $0x2  }
.Ltmp7:
0x7f: {  	s16 =	sadd.s32 $0x10, s16;
	(pc) =	sbr.rel @p0 .LBB2_6-.Ltmp7, $4  }
0x80: {  	v23 =	vor.u32 s16, v0  }
0x81: {  	[tilespmem:v22+s24+$0x0] =	vst.idx.msk vm0, v23  }
0x82: {  	[tilespmem:v22+s26+$0x0] =	vst.idx.msk vm0, v21  }
0x83: {  	s18 =	sshra.s32 s17, $0x2;
	s17 =	sadd.s32 $0x40, s17;
	[tilespmem:v22+s28+$0x0] =	vst.idx.msk vm0, v20  }
0x84: {  	v20 =	vld [tilespmem:s18+$0x0];
	_ =	sdelay $0x4  }
0x85: {  	v20 =	vsub.s32 v20, v19  }
0x86: {  	vm0 =	vlt.u32 v20, $0x3E80  }
0x87: {  	v21 =	vsel vm0, $0x1, v3  }
0x88: {  	(xrf0) =	vadd.scan.msk.s32 $0xffff, v21;
	_ =	sdelay $0x5  }
0x89: {  	v21, _, _ =	vpop (xrf0)  }
0x8a: {  	(v2sf) =	vpush v21, $0xF;
	_ =	sdelay $0x2  }
0x8b: {  	s17 =	spop (v2sf)  }
0x8c: {  	s15 =	sadd.s32 s15, s17  }
0x8d: {  	v22 =	vmov s15  }
0x8e: {  	v22 =	vadd.s32 $0xFFFFFFFF, v22  }
0x8f: {  	v22 =	vbroadcast v22, $0x0;
	_ =	sdelay $0x1  }
0x90: {  	v21 =	vadd.s32 v21, v22  }
0x91: {  	v63 =	vld [tilespmem:s18+$0x1F40];
	_ =	sdelay $0x1  }
0x92: {  	s16 =	sadd.s32 $0x10, s16  }
0x93: {  	v23 =	vor.u32 s16, v0  }
0x94: {  	[tilespmem:v21+s24+$0x0] =	vst.idx.msk vm0, v23  }
0x95: {  	[tilespmem:v21+s26+$0x0] =	vst.idx.msk vm0, v63;
	s17 =	spop (v2sf)  }
0x96: {  	[tilespmem:v21+s28+$0x0] =	vst.idx.msk vm0, v20;
	s16 =	sadd.s32 s15, s17  }
0x97: {  	[tilespmem:s16+$0x3E80] =	vst v1  }
0x98: {  	[tilespmem:s16+$0x5E40] =	vst v1  }
0x99: {  	[tilespmem:s16+$0x7E00] =	vst v4  }
0x9a: {  	[tilespmem:s16+$0x3E90] =	vst v5  }
0x9b: {  	[tilespmem:s16+$0x5E50] =	vst v5  }
0x9c: {  	[tilespmem:s16+$0x7E10] =	vst v6  }
0x9d: {  	[tilespmem:s16+$0x3EA0] =	vst v7  }
0x9e: {  	[tilespmem:s16+$0x5E60] =	vst v7  }
0x9f: {  	[tilespmem:s16+$0x7E20] =	vst v8  }
0xa0: {  	[tilespmem:s16+$0x3EB0] =	vst v9  }
0xa1: {  	[tilespmem:s16+$0x5E70] =	vst v9  }
0xa2: {  	[tilespmem:s16+$0x7E30] =	vst v10;
	s15 =	sadd.s32 $0x7F, s16  }
0xa3: {  	[tilespmem:s16+$0x3EC0] =	vst v11;
	s18 =	sand.u32 $0x7F, s15  }
0xa4: {  	[tilespmem:s16+$0x5E80] =	vst v11;
	s19 =	sshra.s32 s15, $0x1F;
	p1 =	slt.s32 s15, $0x1;
	p0 =	sne.s32 s18, $0x0  }
0xa5: {  	[tilespmem:s16+$0x7E40] =	vst v12;
	s17 =	sshrl.u32 s19, $0x19;
	p0 =	por !p1, !p0  }
0xa6: {  	[tilespmem:s16+$0x3ED0] =	vst v13;
	s15 =	sadd.s32 s17, s15;
	s17 =	simm.s32 $0x1;
	p0 =	por !p0, !p0  }
0xa7: {  	[tilespmem:s16+$0x5E90] =	vst v13;
	s15 =	sshra.s32 s15, $0x7;
	s17 =	simm.s32 @!p0 $0x0  }
0xa8: {  	[tilespmem:s16+$0x7E50] =	vst v14;
	s15 =	ssub.s32 s15, s17  }
0xa9: {  	[tilespmem:s16+$0x3EE0] =	vst v15;
	p0 =	slt.s32 s15, $0x1  }
.Ltmp8:
0xaa: {  	[tilespmem:s16+$0x5EA0] =	vst v15;
	(pc) =	sbr.rel @p0 .LBB2_11-.Ltmp8, $4  }
0xab: {  	[tilespmem:s16+$0x7E60] =	vst v16  }
0xac: {  	[tilespmem:s16+$0x3EF0] =	vst v17  }
0xad: {  	[tilespmem:s16+$0x5EB0] =	vst v17  }
0xae: {  	[tilespmem:s16+$0x7E70] =	vst v18;
	s16 =	simm.s32 $0x0  }
.LBB2_8:
0xaf: {  	s17 =	sshll.u32 s16, $0x7  }
0xb0: {  	v20 =	vld [tilespmem:s17+$0x3E80];
	_ =	sdelay $0x4  }
0xb1: {  	[tilespmem:$0x9DC0] =	vst v20  }
0xb2: {  	v20 =	vld [tilespmem:s17+$0x5E40];
	_ =	sdelay $0x4  }
0xb3: {  	[tilespmem:$0x9E40] =	vst v20  }
0xb4: {  	v20 =	vld [tilespmem:s17+$0x7E00];
	_ =	sdelay $0x4  }
0xb5: {  	[tilespmem:$0x9EC0] =	vst v20  }
0xb6: {  	v20 =	vld [tilespmem:s17+$0x3E90];
	_ =	sdelay $0x4  }
0xb7: {  	[tilespmem:$0x9DD0] =	vst v20  }
0xb8: {  	v20 =	vld [tilespmem:s17+$0x5E50];
	_ =	sdelay $0x4  }
0xb9: {  	[tilespmem:$0x9E50] =	vst v20  }
0xba: {  	v20 =	vld [tilespmem:s17+$0x7E10];
	_ =	sdelay $0x4  }
0xbb: {  	[tilespmem:$0x9ED0] =	vst v20  }
0xbc: {  	v20 =	vld [tilespmem:s17+$0x3EA0];
	_ =	sdelay $0x4  }
0xbd: {  	[tilespmem:$0x9DE0] =	vst v20  }
0xbe: {  	v20 =	vld [tilespmem:s17+$0x5E60];
	_ =	sdelay $0x4  }
0xbf: {  	[tilespmem:$0x9E60] =	vst v20  }
0xc0: {  	v20 =	vld [tilespmem:s17+$0x7E20];
	_ =	sdelay $0x4  }
0xc1: {  	[tilespmem:$0x9EE0] =	vst v20  }
0xc2: {  	v20 =	vld [tilespmem:s17+$0x3EB0];
	_ =	sdelay $0x4  }
0xc3: {  	[tilespmem:$0x9DF0] =	vst v20  }
0xc4: {  	v20 =	vld [tilespmem:s17+$0x5E70];
	_ =	sdelay $0x4  }
0xc5: {  	[tilespmem:$0x9E70] =	vst v20  }
0xc6: {  	v20 =	vld [tilespmem:s17+$0x7E30];
	_ =	sdelay $0x4  }
0xc7: {  	[tilespmem:$0x9EF0] =	vst v20  }
0xc8: {  	v20 =	vld [tilespmem:s17+$0x3EC0];
	_ =	sdelay $0x4  }
0xc9: {  	[tilespmem:$0x9E00] =	vst v20  }
0xca: {  	v20 =	vld [tilespmem:s17+$0x5E80];
	_ =	sdelay $0x4  }
0xcb: {  	[tilespmem:$0x9E80] =	vst v20  }
0xcc: {  	v20 =	vld [tilespmem:s17+$0x7E40];
	_ =	sdelay $0x4  }
0xcd: {  	[tilespmem:$0x9F00] =	vst v20  }
0xce: {  	v20 =	vld [tilespmem:s17+$0x3ED0];
	_ =	sdelay $0x4  }
0xcf: {  	[tilespmem:$0x9E10] =	vst v20  }
0xd0: {  	v20 =	vld [tilespmem:s17+$0x5E90];
	_ =	sdelay $0x4  }
0xd1: {  	[tilespmem:$0x9E90] =	vst v20  }
0xd2: {  	v20 =	vld [tilespmem:s17+$0x7E50];
	_ =	sdelay $0x4  }
0xd3: {  	[tilespmem:$0x9F10] =	vst v20  }
0xd4: {  	v20 =	vld [tilespmem:s17+$0x3EE0];
	_ =	sdelay $0x4  }
0xd5: {  	[tilespmem:$0x9E20] =	vst v20  }
0xd6: {  	v20 =	vld [tilespmem:s17+$0x5EA0];
	_ =	sdelay $0x4  }
0xd7: {  	[tilespmem:$0x9EA0] =	vst v20  }
0xd8: {  	v20 =	vld [tilespmem:s17+$0x7E60];
	_ =	sdelay $0x4  }
0xd9: {  	[tilespmem:$0x9F20] =	vst v20  }
0xda: {  	v20 =	vld [tilespmem:s17+$0x3EF0];
	_ =	sdelay $0x4  }
0xdb: {  	[tilespmem:$0x9E30] =	vst v20  }
0xdc: {  	v20 =	vld [tilespmem:s17+$0x5EB0];
	_ =	sdelay $0x4  }
0xdd: {  	[tilespmem:$0x9EB0] =	vst v20  }
0xde: {  	v20 =	vld [tilespmem:s17+$0x7E70];
	_ =	sdelay $0x4  }
0xdf: {  	[tilespmem:$0x9F30] =	vst v20  }
0xe0: {  	[tilespmem:s0], [sflag:$0x1] =	stream.indirect.gather [hbm4b:s1+s30], $0x40, s31, s30, $0xb8;
	[tilespmem:$0x1FF40] =	vst v63  }
0xe1: {  	_ = 	snop  }
0xe2: {  	[tilespmem:s5], [sflag:$0x2] =	stream.indirect.gather [hbm4b:s7+s30], $0x40, s13, s30, $0xb8;
	[tilespmem:$0x1FF40] =	vst v63  }
0xe3: {  	_ =	swait.ge [sflag:s29], $0x2000  }
0xe4: {  	[sflag:s29] =	ssyncset.done $0x0  }
0xe5: {  	[sflag:s29] =	ssyncadd.s32 $0xFFFFE000  }
0xe6: {  	_ =	swait.ge [sflag:s6], $0x2000  }
0xe7: {  	[sflag:s6] =	ssyncset.done $0x0  }
0xe8: {  	s17 =	simm.s32 $0x0;
	[sflag:s6] =	ssyncadd.s32 $0xFFFFE000  }
0xe9: {  	v25 =	vld [tilespmem:s17+$0x9F40]  }
0xea: {  	v26 =	vld [tilespmem:s17+$0x9F50]  }
0xeb: {  	v21 =	vld [tilespmem:s17+$0x9F60]  }
0xec: {  	v20 =	vld [tilespmem:s17+$0x9F70]  }
0xed: {  	v22 =	vld [tilespmem:s17+$0xBF40]  }
0xee: {  	v24 =	vld [tilespmem:s17+$0xBF50]  }
0xef: {  	s18 =	simm.s32 $0x100;
	v23 =	vld [tilespmem:s17+$0xBF60]  }
.LBB2_9:
0xf0: {  	s19 =	sshra.s32 s18, $0x2;
	p0 =	sne.s32 s18, $0x7F00;
	v27 =	vld [tilespmem:s17+$0xBF70];
	v28 =	vmov v21  }
0xf1: {  	v29 =	vld [tilespmem:s19+$0x9F40];
	v30 =	vmov v20  }
0xf2: {  	v31 =	vld [tilespmem:s19+$0x9F50];
	v22 =	vmul.f32 v25, v22  }
.Ltmp9:
0xf3: {  	v21 =	vld [tilespmem:s19+$0x9F60];
	v24 =	vmul.f32 v26, v24;
	(pc) =	sbr.rel @p0 .LBB2_9-.Ltmp9, $4  }
0xf4: {  	v20 =	vld [tilespmem:s19+$0x9F70];
	[tilespmem:s17+$0xBF40] =	vst v22;
	v23 =	vmul.f32 v28, v23  }
0xf5: {  	v22 =	vld [tilespmem:s19+$0xBF40];
	[tilespmem:s17+$0xBF50] =	vst v24;
	v27 =	vmul.f32 v30, v27  }
0xf6: {  	v24 =	vld [tilespmem:s19+$0xBF50];
	[tilespmem:s17+$0xBF60] =	vst v23;
	v25 =	vmov v29  }
0xf7: {  	s18 =	sadd.s32 $0x100, s18;
	v23 =	vld [tilespmem:s19+$0xBF60];
	[tilespmem:s17+$0xBF70] =	vst v27;
	v26 =	vmov v31;
	s17 =	smov.u32 s19  }
0xf8: {  	v27 =	vld [tilespmem:s17+$0xBF70];
	_ =	sdelay $0x1  }
0xf9: {  	v22 =	vmul.f32 v25, v22  }
0xfa: {  	v24 =	vmul.f32 v26, v24  }
0xfb: {  	[tilespmem:s17+$0xBF40] =	vst v22;
	v21 =	vmul.f32 v21, v23  }
0xfc: {  	[tilespmem:s17+$0xBF50] =	vst v24;
	v20 =	vmul.f32 v20, v27  }
0xfd: {  	s16 =	sadd.s32 $0x1, s16;
	[tilespmem:s17+$0xBF60] =	vst v21  }
0xfe: {  	p0 =	sne.s32 s16, s15;
	[tilespmem:s17+$0xBF70] =	vst v20  }
0xff: {  	[spmem:s4] =	stream.indirect.scatter.add.f32 [tilespmem:s5], [sflag:$0x3], $0x40, s8, s30, $0xb8;
	[tilespmem:$0x1FF40] =	vst v63  }
.Ltmp10:
0x100: {  	_ = 	snop;
	(pc) =	sbr.rel @p0 .LBB2_8-.Ltmp10, $4  }
.Ltmp11:
0x101: {  	_ = 	snop;
	(pc) =	sbr.rel @!p0 .LBB2_11-.Ltmp11, $4  }
0x102: {  	_ =	swait.ge [sflag:s22], $0x2000  }
0x103: {  	[sflag:s22] =	ssyncset.done $0x0  }
0x104: {  	[sflag:s22] =	ssyncadd.s32 $0xFFFFE000  }
0x105: {  	_ = 	snop  }
.LBB2_14:
0x106: {  	_ =	sfence.sel $0x180000  }
0x107: {  	[bflag:$0x0] =	sbarrier.arrive $0xFFFF  }
0x108: {  	_ =	strace $0x90000047  }
0x109: {  	s0 =	stileid.u32;
	[bflag:$0x2] =	sbarrier.arrive $0xFFFF  }
0x10a: {  	p0 =	sne.s32 s0, $0x0;
	s0 =	rddreg [dreg:$0x5]  }
0x10b: {  	s0 =	sadd.s32 @!p0 $0x100000, s0  }
0x10c: {  	[sflag:s0] =	ssyncadd.tile.s32 @!p0 $0x1;
	_ =	shalt  }
.Lfunc_end2:
_tile_overlayer_lowered:
.L_overlay_start_2:
0x10d: {  	(tag) =	ssettag $0x2  }
0x10e: {  	s0 =	rddreg [dreg:$0x0];
	s2 =	stileid.u32  }
0x10f: {  	s1 =	rddreg [dreg:$0x1];
	p0 =	sne.s32 s2, $0x0  }
0x110: {  	s3 =	rddreg [dreg:$0x2];
	[bflag:$0x3] =	sbarrier.arrive $0xFFFF;
	s2 =	simm.s32 @!p0 $0x1C03  }
0x111: {  	[timem:s3], [sflag:s2] =	dma.local @!p0 [hbm:s0], s1  }
0x112: {  	s0 =	simm.s32 @!p0 $0x3  }
0x113: {  	_ =	swait.ge @!p0 [sflag:s0], s1  }
0x114: {  	s1 =	ssub.s32 @!p0 $0x0, s1;
	[sflag:s0] =	ssyncset.done @!p0 $0x0  }
0x115: {  	[sflag:s0] =	ssyncadd.s32 @!p0 s1  }
0x116: {  	[bflag:$0x3] =	sbarrier.arrive $0xFFFF  }
0x117: {  	_ =	shalt  }

</sc_bundles>
